<compile_context>
chip_gen: v7x
topology: tpu7x:2x2x1
jax: 0.10.2.dev20260603
libtpu: 0.0.44.dev20260713+nightly
codegen_flags: <defaults>
</compile_context>

<pallas_src>
import functools

import jax
import jax.numpy as jnp
from jax import lax
from jax.experimental import pallas as pl
from jax.experimental.pallas import tpu as pltpu, tpu_sc as plsc

MODEL_DIM = 2048
NUM_EXPERTS = 16
K = 2
N_TOKENS = 16384
BLOCK_TOKENS = 1024

_NW = 32
_TPW = N_TOKENS // _NW


def _logits_kernel(x_ref, w_ref, b_ref, out_ref):
    x = x_ref[...]
    w = w_ref[...]
    logits = jax.lax.dot_general(
        w, x, (((1,), (1,)), ((), ())), preferred_element_type=jnp.float32
    )
    out_ref[...] = logits + b_ref[...]


def _route_body(logits_hbm, idx_hbm, score_hbm, lv, oi1, oi2, os1, os2, sem):
    wid = lax.axis_index("s") * 2 + lax.axis_index("c")
    base = wid * _TPW
    pltpu.async_copy(logits_hbm.at[:, pl.ds(base, _TPW)], lv, sem).wait()

    def step(j, _):
        col = j * 16
        v0 = lv[0, pl.ds(col, 16)]
        m1 = v0
        i1 = jnp.zeros((16,), jnp.int32)
        m2 = jnp.full((16,), -jnp.inf, jnp.float32)
        i2 = jnp.zeros((16,), jnp.int32)
        for e in range(1, NUM_EXPERTS):
            ve = lv[e, pl.ds(col, 16)]
            ei = jnp.full((16,), e, jnp.int32)
            gt1 = ve > m1
            gt2 = ve > m2
            i2 = jnp.where(gt1, i1, jnp.where(gt2, ei, i2))
            m2 = jnp.where(gt1, m1, jnp.where(gt2, ve, m2))
            i1 = jnp.where(gt1, ei, i1)
            m1 = jnp.where(gt1, ve, m1)
        ex = jnp.exp(m2 - m1)
        den = 1.0 + ex
        oi1[pl.ds(col, 16)] = i1
        oi2[pl.ds(col, 16)] = i2
        os1[pl.ds(col, 16)] = 1.0 / den
        os2[pl.ds(col, 16)] = ex / den
        return 0

    lax.fori_loop(0, _TPW // 16, step, 0)

    pltpu.sync_copy(oi1, idx_hbm.at[0, pl.ds(base, _TPW)])
    pltpu.sync_copy(oi2, idx_hbm.at[1, pl.ds(base, _TPW)])
    pltpu.sync_copy(os1, score_hbm.at[0, pl.ds(base, _TPW)])
    pltpu.sync_copy(os2, score_hbm.at[1, pl.ds(base, _TPW)])


def _sc_route(logits_t):
    mesh = plsc.VectorSubcoreMesh(core_axis_name="c", subcore_axis_name="s")
    f = functools.partial(
        pl.kernel,
        mesh=mesh,
        out_type=[
            jax.ShapeDtypeStruct((K, N_TOKENS), jnp.int32),
            jax.ShapeDtypeStruct((K, N_TOKENS), jnp.float32),
        ],
        scratch_types=[
            pltpu.VMEM((NUM_EXPERTS, _TPW), jnp.float32),
            pltpu.VMEM((_TPW,), jnp.int32),
            pltpu.VMEM((_TPW,), jnp.int32),
            pltpu.VMEM((_TPW,), jnp.float32),
            pltpu.VMEM((_TPW,), jnp.float32),
            pltpu.SemaphoreType.DMA,
        ],
    )(_route_body)
    return f(logits_t)


@jax.jit
def kernel(x, W, b):
    n = x.shape[0]
    grid = (n // BLOCK_TOKENS,)
    b2 = b.reshape(NUM_EXPERTS, 1)
    logits_t = pl.pallas_call(
        _logits_kernel,
        grid=grid,
        in_specs=[
            pl.BlockSpec((BLOCK_TOKENS, MODEL_DIM), lambda i: (i, 0)),
            pl.BlockSpec((NUM_EXPERTS, MODEL_DIM), lambda i: (0, 0)),
            pl.BlockSpec((NUM_EXPERTS, 1), lambda i: (0, 0)),
        ],
        out_specs=pl.BlockSpec((NUM_EXPERTS, BLOCK_TOKENS), lambda i: (0, i)),
        out_shape=jax.ShapeDtypeStruct((NUM_EXPERTS, n), jnp.float32),
    )(x, W, b2)
    idx_t, scores_t = _sc_route(logits_t)
    return (idx_t.T, scores_t.T)

# --- scband reference (transcript-rebuilt; emitter-appended) ---
"""Pipeline reference for scband-top-kgate-85383949844810 (READ-ONLY COPY).

The authoritative reference and input builder live on the scoring server;
editing this copy changes nothing except your own understanding.
"""

import jax, jax.numpy as jnp
import numpy as np

MODEL_DIM = 2048
NUM_EXPERTS = 16
K = 2
N_TOKENS = 16384

def setup_inputs(seed: int = 0) -> dict:
    key = jax.random.key(seed)
    k1, k2, k3 = jax.random.split(key, 3)
    x = jax.random.normal(k1, (N_TOKENS, MODEL_DIM), dtype=jnp.float32)
    # nn.Linear(model_dim, num_experts): weight [num_experts, model_dim], bias [num_experts]
    bound = 1.0 / np.sqrt(MODEL_DIM)
    W = jax.random.uniform(k2, (NUM_EXPERTS, MODEL_DIM), dtype=jnp.float32, minval=-bound, maxval=bound)
    b = jax.random.uniform(k3, (NUM_EXPERTS,), dtype=jnp.float32, minval=-bound, maxval=bound)
    return {"x": x, "W": W, "b": b}

def reference(x, W, b):
    logits = x @ W.T + b
    topk_vals, topk_idx = jax.lax.top_k(logits, K)
    topk_scores = jax.nn.softmax(topk_vals, axis=-1)
    return (topk_idx, topk_scores)

if __name__ == "__main__":
    import jax
    _d = setup_inputs()
    print(jax.jit(kernel)(*tuple(_d.values())))

</pallas_src>

<mosaic_0001>
#map = affine_map<(d0, d1) -> (0, 0)>
module attributes {stable_mosaic.version = 14 : i64} {
  func.func @_route_body(%arg0: i32, %arg1: i32, %arg2: memref<16x16384xf32, #tpu.memory_space<hbm>>, %arg3: memref<2x16384xi32, #tpu.memory_space<hbm>>, %arg4: memref<2x16384xf32, #tpu.memory_space<hbm>>, %arg5: memref<16x512xf32, #tpu.memory_space<vmem>>, %arg6: memref<512xi32, #tpu.memory_space<vmem>>, %arg7: memref<512xi32, #tpu.memory_space<vmem>>, %arg8: memref<512xf32, #tpu.memory_space<vmem>>, %arg9: memref<512xf32, #tpu.memory_space<vmem>>, %arg10: memref<!tpu.dma_semaphore, #tpu.memory_space<semaphore_mem>>) attributes {dimension_semantics = [#tpu.dimension_semantics<core_parallel>, #tpu.dimension_semantics<subcore_parallel>], iteration_bounds = array<i64: 2, 16>, scalar_prefetch = 0 : i64, scratch_operands = 6 : i64, tpu.core_type = #tpu.core_type<sc_vector_subcore>, window_params = [{transform_indices = #map}, {transform_indices = #map}, {transform_indices = #map}]} {
    %mul3A = arith.constant 2 : i32
    %mul3A_0 = arith.muli %arg1, %mul3A : i32
    %add3A = arith.addi %mul3A_0, %arg0 : i32
    %mul3A_1 = arith.constant 512 : i32
    %mul3A_2 = arith.muli %add3A, %mul3A_1 : i32
    %dma_start3A = arith.constant 0 : i32
    %dma_start3A_3 = tpu.memref_slice %arg2[%dma_start3A, %mul3A_2] : memref<16x16384xf32, #tpu.memory_space<hbm>> -> memref<16x512xf32, #tpu.memory_space<hbm>>
    %dma_start3A_4 = arith.constant 0 : i32
    %dma_start3A_5 = tpu.memref_slice %arg2[%dma_start3A_4, %mul3A_2] : memref<16x16384xf32, #tpu.memory_space<hbm>> -> memref<16x512xf32, #tpu.memory_space<hbm>>
    tpu.enqueue_dma source(%dma_start3A_5 : memref<16x512xf32, #tpu.memory_space<hbm>>) target(%arg5 : memref<16x512xf32, #tpu.memory_space<vmem>>) target_semaphore(%arg10 : memref<!tpu.dma_semaphore, #tpu.memory_space<semaphore_mem>>)
    %dma_wait3A = arith.constant 0 : i32
    %dma_wait3A_6 = tpu.memref_slice %arg2[%dma_wait3A, %mul3A_2] : memref<16x16384xf32, #tpu.memory_space<hbm>> -> memref<16x512xf32, #tpu.memory_space<hbm>>
    %dma_wait3A_7 = arith.constant 0 : i32
    %dma_wait3A_8 = tpu.memref_slice %arg2[%dma_wait3A_7, %mul3A_2] : memref<16x16384xf32, #tpu.memory_space<hbm>> -> memref<16x512xf32, #tpu.memory_space<hbm>>
    tpu.wait_dma2 semaphore(%arg10 : memref<!tpu.dma_semaphore, #tpu.memory_space<semaphore_mem>>) src(%dma_wait3A_8 : memref<16x512xf32, #tpu.memory_space<hbm>>) dst(%arg5 : memref<16x512xf32, #tpu.memory_space<vmem>>)
    %scan3A = arith.constant 0 : i32
    %scan3A_9 = arith.constant 0 : i32
    %scan3A_10 = arith.constant 32 : i32
    %scan3A_11 = arith.addi %scan3A_9, %scan3A_10 : i32
    %scan3A_12 = arith.constant 1 : i32
    %scan3A_13 = scf.for %scan3A_18 = %scan3A_9 to %scan3A_11 step %scan3A_12 iter_args(%scan3A_19 = %scan3A) -> (i32)  : i32 {
      %mul3A_20 = arith.constant 16 : i32
      %mul3A_21 = arith.muli %scan3A_18, %mul3A_20 : i32
      %get3A = arith.constant 0 : i32
      %get3A_22 = arith.index_cast %get3A : i32 to index
      %get3A_23 = arith.index_cast %mul3A_21 : i32 to index
      %get3A_24 = tpu.vector_load %arg5[%get3A_22, %get3A_23] {strides = array<i32>} : memref<16x512xf32, #tpu.memory_space<vmem>>, vector<1x16xf32>,
      %get3A_25 = vector.shape_cast %get3A_24 : vector<1x16xf32> to vector<16xf32>
      %broadcast_in_dim3A = arith.constant 0 : i32
      %broadcast_in_dim3A_26 = vector.broadcast %broadcast_in_dim3A : i32 to vector<16xi32>
      %broadcast_in_dim3A_27 = arith.constant 0xFF800000 : f32
      %broadcast_in_dim3A_28 = vector.broadcast %broadcast_in_dim3A_27 : f32 to vector<16xf32>
      %broadcast_in_dim3A_29 = arith.constant 0 : i32
      %broadcast_in_dim3A_30 = vector.broadcast %broadcast_in_dim3A_29 : i32 to vector<16xi32>
      %get3A_31 = arith.constant 1 : i32
      %get3A_32 = arith.index_cast %get3A_31 : i32 to index
      %get3A_33 = arith.index_cast %mul3A_21 : i32 to index
      %get3A_34 = tpu.vector_load %arg5[%get3A_32, %get3A_33] {strides = array<i32>} : memref<16x512xf32, #tpu.memory_space<vmem>>, vector<1x16xf32>,
      %get3A_35 = vector.shape_cast %get3A_34 : vector<1x16xf32> to vector<16xf32>
      %broadcast_in_dim3A_36 = arith.constant 1 : i32
      %broadcast_in_dim3A_37 = vector.broadcast %broadcast_in_dim3A_36 : i32 to vector<16xi32>
      %gt3A = arith.cmpf ogt, %get3A_35, %get3A_25 : vector<16xf32>
      %gt3A_38 = arith.cmpf ogt, %get3A_35, %broadcast_in_dim3A_28 : vector<16xf32>
      %select_n3A = arith.select %gt3A_38, %broadcast_in_dim3A_37, %broadcast_in_dim3A_30 : vector<16xi1>, vector<16xi32>
      %select_n3A_39 = arith.select %gt3A, %broadcast_in_dim3A_26, %select_n3A : vector<16xi1>, vector<16xi32>
      %select_n3A_40 = arith.select %gt3A_38, %get3A_35, %broadcast_in_dim3A_28 : vector<16xi1>, vector<16xf32>
      %select_n3A_41 = arith.select %gt3A, %get3A_25, %select_n3A_40 : vector<16xi1>, vector<16xf32>
      %select_n3A_42 = arith.select %gt3A, %broadcast_in_dim3A_37, %broadcast_in_dim3A_26 : vector<16xi1>, vector<16xi32>
      %select_n3A_43 = arith.select %gt3A, %get3A_35, %get3A_25 : vector<16xi1>, vector<16xf32>
      %get3A_44 = arith.constant 2 : i32
      %get3A_45 = arith.index_cast %get3A_44 : i32 to index
      %get3A_46 = arith.index_cast %mul3A_21 : i32 to index
      %get3A_47 = tpu.vector_load %arg5[%get3A_45, %get3A_46] {strides = array<i32>} : memref<16x512xf32, #tpu.memory_space<vmem>>, vector<1x16xf32>,
      %get3A_48 = vector.shape_cast %get3A_47 : vector<1x16xf32> to vector<16xf32>
      %broadcast_in_dim3A_49 = arith.constant 2 : i32
      %broadcast_in_dim3A_50 = vector.broadcast %broadcast_in_dim3A_49 : i32 to vector<16xi32>
      %gt3A_51 = arith.cmpf ogt, %get3A_48, %select_n3A_43 : vector<16xf32>
      %gt3A_52 = arith.cmpf ogt, %get3A_48, %select_n3A_41 : vector<16xf32>
      %select_n3A_53 = arith.select %gt3A_52, %broadcast_in_dim3A_50, %select_n3A_39 : vector<16xi1>, vector<16xi32>
      %select_n3A_54 = arith.select %gt3A_51, %select_n3A_42, %select_n3A_53 : vector<16xi1>, vector<16xi32>
      %select_n3A_55 = arith.select %gt3A_52, %get3A_48, %select_n3A_41 : vector<16xi1>, vector<16xf32>
      %select_n3A_56 = arith.select %gt3A_51, %select_n3A_43, %select_n3A_55 : vector<16xi1>, vector<16xf32>
      %select_n3A_57 = arith.select %gt3A_51, %broadcast_in_dim3A_50, %select_n3A_42 : vector<16xi1>, vector<16xi32>
      %select_n3A_58 = arith.select %gt3A_51, %get3A_48, %select_n3A_43 : vector<16xi1>, vector<16xf32>
      %get3A_59 = arith.constant 3 : i32
      %get3A_60 = arith.index_cast %get3A_59 : i32 to index
      %get3A_61 = arith.index_cast %mul3A_21 : i32 to index
      %get3A_62 = tpu.vector_load %arg5[%get3A_60, %get3A_61] {strides = array<i32>} : memref<16x512xf32, #tpu.memory_space<vmem>>, vector<1x16xf32>,
      %get3A_63 = vector.shape_cast %get3A_62 : vector<1x16xf32> to vector<16xf32>
      %broadcast_in_dim3A_64 = arith.constant 3 : i32
      %broadcast_in_dim3A_65 = vector.broadcast %broadcast_in_dim3A_64 : i32 to vector<16xi32>
      %gt3A_66 = arith.cmpf ogt, %get3A_63, %select_n3A_58 : vector<16xf32>
      %gt3A_67 = arith.cmpf ogt, %get3A_63, %select_n3A_56 : vector<16xf32>
      %select_n3A_68 = arith.select %gt3A_67, %broadcast_in_dim3A_65, %select_n3A_54 : vector<16xi1>, vector<16xi32>
      %select_n3A_69 = arith.select %gt3A_66, %select_n3A_57, %select_n3A_68 : vector<16xi1>, vector<16xi32>
      %select_n3A_70 = arith.select %gt3A_67, %get3A_63, %select_n3A_56 : vector<16xi1>, vector<16xf32>
      %select_n3A_71 = arith.select %gt3A_66, %select_n3A_58, %select_n3A_70 : vector<16xi1>, vector<16xf32>
      %select_n3A_72 = arith.select %gt3A_66, %broadcast_in_dim3A_65, %select_n3A_57 : vector<16xi1>, vector<16xi32>
      %select_n3A_73 = arith.select %gt3A_66, %get3A_63, %select_n3A_58 : vector<16xi1>, vector<16xf32>
      %get3A_74 = arith.constant 4 : i32
      %get3A_75 = arith.index_cast %get3A_74 : i32 to index
      %get3A_76 = arith.index_cast %mul3A_21 : i32 to index
      %get3A_77 = tpu.vector_load %arg5[%get3A_75, %get3A_76] {strides = array<i32>} : memref<16x512xf32, #tpu.memory_space<vmem>>, vector<1x16xf32>,
      %get3A_78 = vector.shape_cast %get3A_77 : vector<1x16xf32> to vector<16xf32>
      %broadcast_in_dim3A_79 = arith.constant 4 : i32
      %broadcast_in_dim3A_80 = vector.broadcast %broadcast_in_dim3A_79 : i32 to vector<16xi32>
      %gt3A_81 = arith.cmpf ogt, %get3A_78, %select_n3A_73 : vector<16xf32>
      %gt3A_82 = arith.cmpf ogt, %get3A_78, %select_n3A_71 : vector<16xf32>
      %select_n3A_83 = arith.select %gt3A_82, %broadcast_in_dim3A_80, %select_n3A_69 : vector<16xi1>, vector<16xi32>
      %select_n3A_84 = arith.select %gt3A_81, %select_n3A_72, %select_n3A_83 : vector<16xi1>, vector<16xi32>
      %select_n3A_85 = arith.select %gt3A_82, %get3A_78, %select_n3A_71 : vector<16xi1>, vector<16xf32>
      %select_n3A_86 = arith.select %gt3A_81, %select_n3A_73, %select_n3A_85 : vector<16xi1>, vector<16xf32>
      %select_n3A_87 = arith.select %gt3A_81, %broadcast_in_dim3A_80, %select_n3A_72 : vector<16xi1>, vector<16xi32>
      %select_n3A_88 = arith.select %gt3A_81, %get3A_78, %select_n3A_73 : vector<16xi1>, vector<16xf32>
      %get3A_89 = arith.constant 5 : i32
      %get3A_90 = arith.index_cast %get3A_89 : i32 to index
      %get3A_91 = arith.index_cast %mul3A_21 : i32 to index
      %get3A_92 = tpu.vector_load %arg5[%get3A_90, %get3A_91] {strides = array<i32>} : memref<16x512xf32, #tpu.memory_space<vmem>>, vector<1x16xf32>,
      %get3A_93 = vector.shape_cast %get3A_92 : vector<1x16xf32> to vector<16xf32>
      %broadcast_in_dim3A_94 = arith.constant 5 : i32
      %broadcast_in_dim3A_95 = vector.broadcast %broadcast_in_dim3A_94 : i32 to vector<16xi32>
      %gt3A_96 = arith.cmpf ogt, %get3A_93, %select_n3A_88 : vector<16xf32>
      %gt3A_97 = arith.cmpf ogt, %get3A_93, %select_n3A_86 : vector<16xf32>
      %select_n3A_98 = arith.select %gt3A_97, %broadcast_in_dim3A_95, %select_n3A_84 : vector<16xi1>, vector<16xi32>
      %select_n3A_99 = arith.select %gt3A_96, %select_n3A_87, %select_n3A_98 : vector<16xi1>, vector<16xi32>
      %select_n3A_100 = arith.select %gt3A_97, %get3A_93, %select_n3A_86 : vector<16xi1>, vector<16xf32>
      %select_n3A_101 = arith.select %gt3A_96, %select_n3A_88, %select_n3A_100 : vector<16xi1>, vector<16xf32>
      %select_n3A_102 = arith.select %gt3A_96, %broadcast_in_dim3A_95, %select_n3A_87 : vector<16xi1>, vector<16xi32>
      %select_n3A_103 = arith.select %gt3A_96, %get3A_93, %select_n3A_88 : vector<16xi1>, vector<16xf32>
      %get3A_104 = arith.constant 6 : i32
      %get3A_105 = arith.index_cast %get3A_104 : i32 to index
      %get3A_106 = arith.index_cast %mul3A_21 : i32 to index
      %get3A_107 = tpu.vector_load %arg5[%get3A_105, %get3A_106] {strides = array<i32>} : memref<16x512xf32, #tpu.memory_space<vmem>>, vector<1x16xf32>,
      %get3A_108 = vector.shape_cast %get3A_107 : vector<1x16xf32> to vector<16xf32>
      %broadcast_in_dim3A_109 = arith.constant 6 : i32
      %broadcast_in_dim3A_110 = vector.broadcast %broadcast_in_dim3A_109 : i32 to vector<16xi32>
      %gt3A_111 = arith.cmpf ogt, %get3A_108, %select_n3A_103 : vector<16xf32>
      %gt3A_112 = arith.cmpf ogt, %get3A_108, %select_n3A_101 : vector<16xf32>
      %select_n3A_113 = arith.select %gt3A_112, %broadcast_in_dim3A_110, %select_n3A_99 : vector<16xi1>, vector<16xi32>
      %select_n3A_114 = arith.select %gt3A_111, %select_n3A_102, %select_n3A_113 : vector<16xi1>, vector<16xi32>
      %select_n3A_115 = arith.select %gt3A_112, %get3A_108, %select_n3A_101 : vector<16xi1>, vector<16xf32>
      %select_n3A_116 = arith.select %gt3A_111, %select_n3A_103, %select_n3A_115 : vector<16xi1>, vector<16xf32>
      %select_n3A_117 = arith.select %gt3A_111, %broadcast_in_dim3A_110, %select_n3A_102 : vector<16xi1>, vector<16xi32>
      %select_n3A_118 = arith.select %gt3A_111, %get3A_108, %select_n3A_103 : vector<16xi1>, vector<16xf32>
      %get3A_119 = arith.constant 7 : i32
      %get3A_120 = arith.index_cast %get3A_119 : i32 to index
      %get3A_121 = arith.index_cast %mul3A_21 : i32 to index
      %get3A_122 = tpu.vector_load %arg5[%get3A_120, %get3A_121] {strides = array<i32>} : memref<16x512xf32, #tpu.memory_space<vmem>>, vector<1x16xf32>,
      %get3A_123 = vector.shape_cast %get3A_122 : vector<1x16xf32> to vector<16xf32>
      %broadcast_in_dim3A_124 = arith.constant 7 : i32
      %broadcast_in_dim3A_125 = vector.broadcast %broadcast_in_dim3A_124 : i32 to vector<16xi32>
      %gt3A_126 = arith.cmpf ogt, %get3A_123, %select_n3A_118 : vector<16xf32>
      %gt3A_127 = arith.cmpf ogt, %get3A_123, %select_n3A_116 : vector<16xf32>
      %select_n3A_128 = arith.select %gt3A_127, %broadcast_in_dim3A_125, %select_n3A_114 : vector<16xi1>, vector<16xi32>
      %select_n3A_129 = arith.select %gt3A_126, %select_n3A_117, %select_n3A_128 : vector<16xi1>, vector<16xi32>
      %select_n3A_130 = arith.select %gt3A_127, %get3A_123, %select_n3A_116 : vector<16xi1>, vector<16xf32>
      %select_n3A_131 = arith.select %gt3A_126, %select_n3A_118, %select_n3A_130 : vector<16xi1>, vector<16xf32>
      %select_n3A_132 = arith.select %gt3A_126, %broadcast_in_dim3A_125, %select_n3A_117 : vector<16xi1>, vector<16xi32>
      %select_n3A_133 = arith.select %gt3A_126, %get3A_123, %select_n3A_118 : vector<16xi1>, vector<16xf32>
      %get3A_134 = arith.constant 8 : i32
      %get3A_135 = arith.index_cast %get3A_134 : i32 to index
      %get3A_136 = arith.index_cast %mul3A_21 : i32 to index
      %get3A_137 = tpu.vector_load %arg5[%get3A_135, %get3A_136] {strides = array<i32>} : memref<16x512xf32, #tpu.memory_space<vmem>>, vector<1x16xf32>,
      %get3A_138 = vector.shape_cast %get3A_137 : vector<1x16xf32> to vector<16xf32>
      %broadcast_in_dim3A_139 = arith.constant 8 : i32
      %broadcast_in_dim3A_140 = vector.broadcast %broadcast_in_dim3A_139 : i32 to vector<16xi32>
      %gt3A_141 = arith.cmpf ogt, %get3A_138, %select_n3A_133 : vector<16xf32>
      %gt3A_142 = arith.cmpf ogt, %get3A_138, %select_n3A_131 : vector<16xf32>
      %select_n3A_143 = arith.select %gt3A_142, %broadcast_in_dim3A_140, %select_n3A_129 : vector<16xi1>, vector<16xi32>
      %select_n3A_144 = arith.select %gt3A_141, %select_n3A_132, %select_n3A_143 : vector<16xi1>, vector<16xi32>
      %select_n3A_145 = arith.select %gt3A_142, %get3A_138, %select_n3A_131 : vector<16xi1>, vector<16xf32>
      %select_n3A_146 = arith.select %gt3A_141, %select_n3A_133, %select_n3A_145 : vector<16xi1>, vector<16xf32>
      %select_n3A_147 = arith.select %gt3A_141, %broadcast_in_dim3A_140, %select_n3A_132 : vector<16xi1>, vector<16xi32>
      %select_n3A_148 = arith.select %gt3A_141, %get3A_138, %select_n3A_133 : vector<16xi1>, vector<16xf32>
      %get3A_149 = arith.constant 9 : i32
      %get3A_150 = arith.index_cast %get3A_149 : i32 to index
      %get3A_151 = arith.index_cast %mul3A_21 : i32 to index
      %get3A_152 = tpu.vector_load %arg5[%get3A_150, %get3A_151] {strides = array<i32>} : memref<16x512xf32, #tpu.memory_space<vmem>>, vector<1x16xf32>,
      %get3A_153 = vector.shape_cast %get3A_152 : vector<1x16xf32> to vector<16xf32>
      %broadcast_in_dim3A_154 = arith.constant 9 : i32
      %broadcast_in_dim3A_155 = vector.broadcast %broadcast_in_dim3A_154 : i32 to vector<16xi32>
      %gt3A_156 = arith.cmpf ogt, %get3A_153, %select_n3A_148 : vector<16xf32>
      %gt3A_157 = arith.cmpf ogt, %get3A_153, %select_n3A_146 : vector<16xf32>
      %select_n3A_158 = arith.select %gt3A_157, %broadcast_in_dim3A_155, %select_n3A_144 : vector<16xi1>, vector<16xi32>
      %select_n3A_159 = arith.select %gt3A_156, %select_n3A_147, %select_n3A_158 : vector<16xi1>, vector<16xi32>
      %select_n3A_160 = arith.select %gt3A_157, %get3A_153, %select_n3A_146 : vector<16xi1>, vector<16xf32>
      %select_n3A_161 = arith.select %gt3A_156, %select_n3A_148, %select_n3A_160 : vector<16xi1>, vector<16xf32>
      %select_n3A_162 = arith.select %gt3A_156, %broadcast_in_dim3A_155, %select_n3A_147 : vector<16xi1>, vector<16xi32>
      %select_n3A_163 = arith.select %gt3A_156, %get3A_153, %select_n3A_148 : vector<16xi1>, vector<16xf32>
      %get3A_164 = arith.constant 10 : i32
      %get3A_165 = arith.index_cast %get3A_164 : i32 to index
      %get3A_166 = arith.index_cast %mul3A_21 : i32 to index
      %get3A_167 = tpu.vector_load %arg5[%get3A_165, %get3A_166] {strides = array<i32>} : memref<16x512xf32, #tpu.memory_space<vmem>>, vector<1x16xf32>,
      %get3A_168 = vector.shape_cast %get3A_167 : vector<1x16xf32> to vector<16xf32>
      %broadcast_in_dim3A_169 = arith.constant 10 : i32
      %broadcast_in_dim3A_170 = vector.broadcast %broadcast_in_dim3A_169 : i32 to vector<16xi32>
      %gt3A_171 = arith.cmpf ogt, %get3A_168, %select_n3A_163 : vector<16xf32>
      %gt3A_172 = arith.cmpf ogt, %get3A_168, %select_n3A_161 : vector<16xf32>
      %select_n3A_173 = arith.select %gt3A_172, %broadcast_in_dim3A_170, %select_n3A_159 : vector<16xi1>, vector<16xi32>
      %select_n3A_174 = arith.select %gt3A_171, %select_n3A_162, %select_n3A_173 : vector<16xi1>, vector<16xi32>
      %select_n3A_175 = arith.select %gt3A_172, %get3A_168, %select_n3A_161 : vector<16xi1>, vector<16xf32>
      %select_n3A_176 = arith.select %gt3A_171, %select_n3A_163, %select_n3A_175 : vector<16xi1>, vector<16xf32>
      %select_n3A_177 = arith.select %gt3A_171, %broadcast_in_dim3A_170, %select_n3A_162 : vector<16xi1>, vector<16xi32>
      %select_n3A_178 = arith.select %gt3A_171, %get3A_168, %select_n3A_163 : vector<16xi1>, vector<16xf32>
      %get3A_179 = arith.constant 11 : i32
      %get3A_180 = arith.index_cast %get3A_179 : i32 to index
      %get3A_181 = arith.index_cast %mul3A_21 : i32 to index
      %get3A_182 = tpu.vector_load %arg5[%get3A_180, %get3A_181] {strides = array<i32>} : memref<16x512xf32, #tpu.memory_space<vmem>>, vector<1x16xf32>,
      %get3A_183 = vector.shape_cast %get3A_182 : vector<1x16xf32> to vector<16xf32>
      %broadcast_in_dim3A_184 = arith.constant 11 : i32
      %broadcast_in_dim3A_185 = vector.broadcast %broadcast_in_dim3A_184 : i32 to vector<16xi32>
      %gt3A_186 = arith.cmpf ogt, %get3A_183, %select_n3A_178 : vector<16xf32>
      %gt3A_187 = arith.cmpf ogt, %get3A_183, %select_n3A_176 : vector<16xf32>
      %select_n3A_188 = arith.select %gt3A_187, %broadcast_in_dim3A_185, %select_n3A_174 : vector<16xi1>, vector<16xi32>
      %select_n3A_189 = arith.select %gt3A_186, %select_n3A_177, %select_n3A_188 : vector<16xi1>, vector<16xi32>
      %select_n3A_190 = arith.select %gt3A_187, %get3A_183, %select_n3A_176 : vector<16xi1>, vector<16xf32>
      %select_n3A_191 = arith.select %gt3A_186, %select_n3A_178, %select_n3A_190 : vector<16xi1>, vector<16xf32>
      %select_n3A_192 = arith.select %gt3A_186, %broadcast_in_dim3A_185, %select_n3A_177 : vector<16xi1>, vector<16xi32>
      %select_n3A_193 = arith.select %gt3A_186, %get3A_183, %select_n3A_178 : vector<16xi1>, vector<16xf32>
      %get3A_194 = arith.constant 12 : i32
      %get3A_195 = arith.index_cast %get3A_194 : i32 to index
      %get3A_196 = arith.index_cast %mul3A_21 : i32 to index
      %get3A_197 = tpu.vector_load %arg5[%get3A_195, %get3A_196] {strides = array<i32>} : memref<16x512xf32, #tpu.memory_space<vmem>>, vector<1x16xf32>,
      %get3A_198 = vector.shape_cast %get3A_197 : vector<1x16xf32> to vector<16xf32>
      %broadcast_in_dim3A_199 = arith.constant 12 : i32
      %broadcast_in_dim3A_200 = vector.broadcast %broadcast_in_dim3A_199 : i32 to vector<16xi32>
      %gt3A_201 = arith.cmpf ogt, %get3A_198, %select_n3A_193 : vector<16xf32>
      %gt3A_202 = arith.cmpf ogt, %get3A_198, %select_n3A_191 : vector<16xf32>
      %select_n3A_203 = arith.select %gt3A_202, %broadcast_in_dim3A_200, %select_n3A_189 : vector<16xi1>, vector<16xi32>
      %select_n3A_204 = arith.select %gt3A_201, %select_n3A_192, %select_n3A_203 : vector<16xi1>, vector<16xi32>
      %select_n3A_205 = arith.select %gt3A_202, %get3A_198, %select_n3A_191 : vector<16xi1>, vector<16xf32>
      %select_n3A_206 = arith.select %gt3A_201, %select_n3A_193, %select_n3A_205 : vector<16xi1>, vector<16xf32>
      %select_n3A_207 = arith.select %gt3A_201, %broadcast_in_dim3A_200, %select_n3A_192 : vector<16xi1>, vector<16xi32>
      %select_n3A_208 = arith.select %gt3A_201, %get3A_198, %select_n3A_193 : vector<16xi1>, vector<16xf32>
      %get3A_209 = arith.constant 13 : i32
      %get3A_210 = arith.index_cast %get3A_209 : i32 to index
      %get3A_211 = arith.index_cast %mul3A_21 : i32 to index
      %get3A_212 = tpu.vector_load %arg5[%get3A_210, %get3A_211] {strides = array<i32>} : memref<16x512xf32, #tpu.memory_space<vmem>>, vector<1x16xf32>,
      %get3A_213 = vector.shape_cast %get3A_212 : vector<1x16xf32> to vector<16xf32>
      %broadcast_in_dim3A_214 = arith.constant 13 : i32
      %broadcast_in_dim3A_215 = vector.broadcast %broadcast_in_dim3A_214 : i32 to vector<16xi32>
      %gt3A_216 = arith.cmpf ogt, %get3A_213, %select_n3A_208 : vector<16xf32>
      %gt3A_217 = arith.cmpf ogt, %get3A_213, %select_n3A_206 : vector<16xf32>
      %select_n3A_218 = arith.select %gt3A_217, %broadcast_in_dim3A_215, %select_n3A_204 : vector<16xi1>, vector<16xi32>
      %select_n3A_219 = arith.select %gt3A_216, %select_n3A_207, %select_n3A_218 : vector<16xi1>, vector<16xi32>
      %select_n3A_220 = arith.select %gt3A_217, %get3A_213, %select_n3A_206 : vector<16xi1>, vector<16xf32>
      %select_n3A_221 = arith.select %gt3A_216, %select_n3A_208, %select_n3A_220 : vector<16xi1>, vector<16xf32>
      %select_n3A_222 = arith.select %gt3A_216, %broadcast_in_dim3A_215, %select_n3A_207 : vector<16xi1>, vector<16xi32>
      %select_n3A_223 = arith.select %gt3A_216, %get3A_213, %select_n3A_208 : vector<16xi1>, vector<16xf32>
      %get3A_224 = arith.constant 14 : i32
      %get3A_225 = arith.index_cast %get3A_224 : i32 to index
      %get3A_226 = arith.index_cast %mul3A_21 : i32 to index
      %get3A_227 = tpu.vector_load %arg5[%get3A_225, %get3A_226] {strides = array<i32>} : memref<16x512xf32, #tpu.memory_space<vmem>>, vector<1x16xf32>,
      %get3A_228 = vector.shape_cast %get3A_227 : vector<1x16xf32> to vector<16xf32>
      %broadcast_in_dim3A_229 = arith.constant 14 : i32
      %broadcast_in_dim3A_230 = vector.broadcast %broadcast_in_dim3A_229 : i32 to vector<16xi32>
      %gt3A_231 = arith.cmpf ogt, %get3A_228, %select_n3A_223 : vector<16xf32>
      %gt3A_232 = arith.cmpf ogt, %get3A_228, %select_n3A_221 : vector<16xf32>
      %select_n3A_233 = arith.select %gt3A_232, %broadcast_in_dim3A_230, %select_n3A_219 : vector<16xi1>, vector<16xi32>
      %select_n3A_234 = arith.select %gt3A_231, %select_n3A_222, %select_n3A_233 : vector<16xi1>, vector<16xi32>
      %select_n3A_235 = arith.select %gt3A_232, %get3A_228, %select_n3A_221 : vector<16xi1>, vector<16xf32>
      %select_n3A_236 = arith.select %gt3A_231, %select_n3A_223, %select_n3A_235 : vector<16xi1>, vector<16xf32>
      %select_n3A_237 = arith.select %gt3A_231, %broadcast_in_dim3A_230, %select_n3A_222 : vector<16xi1>, vector<16xi32>
      %select_n3A_238 = arith.select %gt3A_231, %get3A_228, %select_n3A_223 : vector<16xi1>, vector<16xf32>
      %get3A_239 = arith.constant 15 : i32
      %get3A_240 = arith.index_cast %get3A_239 : i32 to index
      %get3A_241 = arith.index_cast %mul3A_21 : i32 to index
      %get3A_242 = tpu.vector_load %arg5[%get3A_240, %get3A_241] {strides = array<i32>} : memref<16x512xf32, #tpu.memory_space<vmem>>, vector<1x16xf32>,
      %get3A_243 = vector.shape_cast %get3A_242 : vector<1x16xf32> to vector<16xf32>
      %broadcast_in_dim3A_244 = arith.constant 15 : i32
      %broadcast_in_dim3A_245 = vector.broadcast %broadcast_in_dim3A_244 : i32 to vector<16xi32>
      %gt3A_246 = arith.cmpf ogt, %get3A_243, %select_n3A_238 : vector<16xf32>
      %gt3A_247 = arith.cmpf ogt, %get3A_243, %select_n3A_236 : vector<16xf32>
      %select_n3A_248 = arith.select %gt3A_247, %broadcast_in_dim3A_245, %select_n3A_234 : vector<16xi1>, vector<16xi32>
      %select_n3A_249 = arith.select %gt3A_246, %select_n3A_237, %select_n3A_248 : vector<16xi1>, vector<16xi32>
      %select_n3A_250 = arith.select %gt3A_247, %get3A_243, %select_n3A_236 : vector<16xi1>, vector<16xf32>
      %select_n3A_251 = arith.select %gt3A_246, %select_n3A_238, %select_n3A_250 : vector<16xi1>, vector<16xf32>
      %select_n3A_252 = arith.select %gt3A_246, %broadcast_in_dim3A_245, %select_n3A_237 : vector<16xi1>, vector<16xi32>
      %select_n3A_253 = arith.select %gt3A_246, %get3A_243, %select_n3A_238 : vector<16xi1>, vector<16xf32>
      %sub3A = arith.subf %select_n3A_251, %select_n3A_253 : vector<16xf32>
      %exp3A = math.exp %sub3A : vector<16xf32>
      %add3A_254 = arith.constant 1.000000e+00 : f32
      %add3A_255 = vector.broadcast %add3A_254 : f32 to vector<16xf32>
      %add3A_256 = arith.addf %add3A_255, %exp3A : vector<16xf32>
      %swap3A = arith.index_cast %mul3A_21 : i32 to index
      %swap3A_257 = tpu.vector_load %arg6[%swap3A] {strides = array<i32>} : memref<512xi32, #tpu.memory_space<vmem>>, vector<16xi32>,
      %swap3A_258 = vector.shape_cast %swap3A_257 : vector<16xi32> to vector<16xi32>
      %swap3A_259 = vector.shape_cast %select_n3A_252 : vector<16xi32> to vector<16xi32>
      tpu.vector_store %arg6[%swap3A], %swap3A_259 {strides = array<i32>} : memref<512xi32, #tpu.memory_space<vmem>>, vector<16xi32>,
      %swap3A_260 = arith.index_cast %mul3A_21 : i32 to index
      %swap3A_261 = tpu.vector_load %arg7[%swap3A_260] {strides = array<i32>} : memref<512xi32, #tpu.memory_space<vmem>>, vector<16xi32>,
      %swap3A_262 = vector.shape_cast %swap3A_261 : vector<16xi32> to vector<16xi32>
      %swap3A_263 = vector.shape_cast %select_n3A_249 : vector<16xi32> to vector<16xi32>
      tpu.vector_store %arg7[%swap3A_260], %swap3A_263 {strides = array<i32>} : memref<512xi32, #tpu.memory_space<vmem>>, vector<16xi32>,
      %div3A = arith.constant 1.000000e+00 : f32
      %div3A_264 = vector.broadcast %div3A : f32 to vector<16xf32>
      %div3A_265 = arith.divf %div3A_264, %add3A_256 : vector<16xf32>
      %swap3A_266 = arith.index_cast %mul3A_21 : i32 to index
      %swap3A_267 = tpu.vector_load %arg8[%swap3A_266] {strides = array<i32>} : memref<512xf32, #tpu.memory_space<vmem>>, vector<16xf32>,
      %swap3A_268 = vector.shape_cast %swap3A_267 : vector<16xf32> to vector<16xf32>
      %swap3A_269 = vector.shape_cast %div3A_265 : vector<16xf32> to vector<16xf32>
      tpu.vector_store %arg8[%swap3A_266], %swap3A_269 {strides = array<i32>} : memref<512xf32, #tpu.memory_space<vmem>>, vector<16xf32>,
      %div3A_270 = arith.divf %exp3A, %add3A_256 : vector<16xf32>
      %swap3A_271 = arith.index_cast %mul3A_21 : i32 to index
      %swap3A_272 = tpu.vector_load %arg9[%swap3A_271] {strides = array<i32>} : memref<512xf32, #tpu.memory_space<vmem>>, vector<16xf32>,
      %swap3A_273 = vector.shape_cast %swap3A_272 : vector<16xf32> to vector<16xf32>
      %swap3A_274 = vector.shape_cast %div3A_270 : vector<16xf32> to vector<16xf32>
      tpu.vector_store %arg9[%swap3A_271], %swap3A_274 {strides = array<i32>} : memref<512xf32, #tpu.memory_space<vmem>>, vector<16xf32>,
      %scan3A_275 = arith.constant 0 : i32
      scf.yield %scan3A_275 : i32
    }
    %scan3A_14 = arith.constant 32 : i32
    %run_scoped3A = arith.constant 0 : i32
    "tpu.region"() ({
      %run_scoped3A_18 = tpu.sem_alloc : memref<!tpu.dma_semaphore, #tpu.memory_space<semaphore_mem>>
      %dma_start3A_19 = tpu.memref_slice %arg3[%run_scoped3A, %mul3A_2] : memref<2x16384xi32, #tpu.memory_space<hbm>> -> memref<1x512xi32, #tpu.memory_space<hbm>>
      %dma_start3A_20 = tpu.memref_squeeze %dma_start3A_19 : memref<1x512xi32, #tpu.memory_space<hbm>> -> memref<512xi32, #tpu.memory_space<hbm>>
      %dma_start3A_21 = tpu.memref_slice %arg3[%run_scoped3A, %mul3A_2] : memref<2x16384xi32, #tpu.memory_space<hbm>> -> memref<1x512xi32, #tpu.memory_space<hbm>>
      %dma_start3A_22 = tpu.memref_squeeze %dma_start3A_21 : memref<1x512xi32, #tpu.memory_space<hbm>> -> memref<512xi32, #tpu.memory_space<hbm>>
      tpu.enqueue_dma source(%arg6 : memref<512xi32, #tpu.memory_space<vmem>>) target(%dma_start3A_22 : memref<512xi32, #tpu.memory_space<hbm>>) target_semaphore(%run_scoped3A_18 : memref<!tpu.dma_semaphore, #tpu.memory_space<semaphore_mem>>)
      %dma_wait3A_23 = tpu.memref_slice %arg3[%run_scoped3A, %mul3A_2] : memref<2x16384xi32, #tpu.memory_space<hbm>> -> memref<1x512xi32, #tpu.memory_space<hbm>>
      %dma_wait3A_24 = tpu.memref_squeeze %dma_wait3A_23 : memref<1x512xi32, #tpu.memory_space<hbm>> -> memref<512xi32, #tpu.memory_space<hbm>>
      %dma_wait3A_25 = tpu.memref_slice %arg3[%run_scoped3A, %mul3A_2] : memref<2x16384xi32, #tpu.memory_space<hbm>> -> memref<1x512xi32, #tpu.memory_space<hbm>>
      %dma_wait3A_26 = tpu.memref_squeeze %dma_wait3A_25 : memref<1x512xi32, #tpu.memory_space<hbm>> -> memref<512xi32, #tpu.memory_space<hbm>>
      tpu.wait_dma2 semaphore(%run_scoped3A_18 : memref<!tpu.dma_semaphore, #tpu.memory_space<semaphore_mem>>) src(%arg6 : memref<512xi32, #tpu.memory_space<vmem>>) dst(%dma_wait3A_26 : memref<512xi32, #tpu.memory_space<hbm>>)
      tpu.yield
    }) : () -> ()
    %run_scoped3A_15 = arith.constant 1 : i32
    "tpu.region"() ({
      %run_scoped3A_18 = tpu.sem_alloc : memref<!tpu.dma_semaphore, #tpu.memory_space<semaphore_mem>>
      %dma_start3A_19 = tpu.memref_slice %arg3[%run_scoped3A_15, %mul3A_2] : memref<2x16384xi32, #tpu.memory_space<hbm>> -> memref<1x512xi32, #tpu.memory_space<hbm>>
      %dma_start3A_20 = tpu.memref_squeeze %dma_start3A_19 : memref<1x512xi32, #tpu.memory_space<hbm>> -> memref<512xi32, #tpu.memory_space<hbm>>
      %dma_start3A_21 = tpu.memref_slice %arg3[%run_scoped3A_15, %mul3A_2] : memref<2x16384xi32, #tpu.memory_space<hbm>> -> memref<1x512xi32, #tpu.memory_space<hbm>>
      %dma_start3A_22 = tpu.memref_squeeze %dma_start3A_21 : memref<1x512xi32, #tpu.memory_space<hbm>> -> memref<512xi32, #tpu.memory_space<hbm>>
      tpu.enqueue_dma source(%arg7 : memref<512xi32, #tpu.memory_space<vmem>>) target(%dma_start3A_22 : memref<512xi32, #tpu.memory_space<hbm>>) target_semaphore(%run_scoped3A_18 : memref<!tpu.dma_semaphore, #tpu.memory_space<semaphore_mem>>)
      %dma_wait3A_23 = tpu.memref_slice %arg3[%run_scoped3A_15, %mul3A_2] : memref<2x16384xi32, #tpu.memory_space<hbm>> -> memref<1x512xi32, #tpu.memory_space<hbm>>
      %dma_wait3A_24 = tpu.memref_squeeze %dma_wait3A_23 : memref<1x512xi32, #tpu.memory_space<hbm>> -> memref<512xi32, #tpu.memory_space<hbm>>
      %dma_wait3A_25 = tpu.memref_slice %arg3[%run_scoped3A_15, %mul3A_2] : memref<2x16384xi32, #tpu.memory_space<hbm>> -> memref<1x512xi32, #tpu.memory_space<hbm>>
      %dma_wait3A_26 = tpu.memref_squeeze %dma_wait3A_25 : memref<1x512xi32, #tpu.memory_space<hbm>> -> memref<512xi32, #tpu.memory_space<hbm>>
      tpu.wait_dma2 semaphore(%run_scoped3A_18 : memref<!tpu.dma_semaphore, #tpu.memory_space<semaphore_mem>>) src(%arg7 : memref<512xi32, #tpu.memory_space<vmem>>) dst(%dma_wait3A_26 : memref<512xi32, #tpu.memory_space<hbm>>)
      tpu.yield
    }) : () -> ()
    %run_scoped3A_16 = arith.constant 0 : i32
    "tpu.region"() ({
      %run_scoped3A_18 = tpu.sem_alloc : memref<!tpu.dma_semaphore, #tpu.memory_space<semaphore_mem>>
      %dma_start3A_19 = tpu.memref_slice %arg4[%run_scoped3A_16, %mul3A_2] : memref<2x16384xf32, #tpu.memory_space<hbm>> -> memref<1x512xf32, #tpu.memory_space<hbm>>
      %dma_start3A_20 = tpu.memref_squeeze %dma_start3A_19 : memref<1x512xf32, #tpu.memory_space<hbm>> -> memref<512xf32, #tpu.memory_space<hbm>>
      %dma_start3A_21 = tpu.memref_slice %arg4[%run_scoped3A_16, %mul3A_2] : memref<2x16384xf32, #tpu.memory_space<hbm>> -> memref<1x512xf32, #tpu.memory_space<hbm>>
      %dma_start3A_22 = tpu.memref_squeeze %dma_start3A_21 : memref<1x512xf32, #tpu.memory_space<hbm>> -> memref<512xf32, #tpu.memory_space<hbm>>
      tpu.enqueue_dma source(%arg8 : memref<512xf32, #tpu.memory_space<vmem>>) target(%dma_start3A_22 : memref<512xf32, #tpu.memory_space<hbm>>) target_semaphore(%run_scoped3A_18 : memref<!tpu.dma_semaphore, #tpu.memory_space<semaphore_mem>>)
      %dma_wait3A_23 = tpu.memref_slice %arg4[%run_scoped3A_16, %mul3A_2] : memref<2x16384xf32, #tpu.memory_space<hbm>> -> memref<1x512xf32, #tpu.memory_space<hbm>>
      %dma_wait3A_24 = tpu.memref_squeeze %dma_wait3A_23 : memref<1x512xf32, #tpu.memory_space<hbm>> -> memref<512xf32, #tpu.memory_space<hbm>>
      %dma_wait3A_25 = tpu.memref_slice %arg4[%run_scoped3A_16, %mul3A_2] : memref<2x16384xf32, #tpu.memory_space<hbm>> -> memref<1x512xf32, #tpu.memory_space<hbm>>
      %dma_wait3A_26 = tpu.memref_squeeze %dma_wait3A_25 : memref<1x512xf32, #tpu.memory_space<hbm>> -> memref<512xf32, #tpu.memory_space<hbm>>
      tpu.wait_dma2 semaphore(%run_scoped3A_18 : memref<!tpu.dma_semaphore, #tpu.memory_space<semaphore_mem>>) src(%arg8 : memref<512xf32, #tpu.memory_space<vmem>>) dst(%dma_wait3A_26 : memref<512xf32, #tpu.memory_space<hbm>>)
      tpu.yield
    }) : () -> ()
    %run_scoped3A_17 = arith.constant 1 : i32
    "tpu.region"() ({
      %run_scoped3A_18 = tpu.sem_alloc : memref<!tpu.dma_semaphore, #tpu.memory_space<semaphore_mem>>
      %dma_start3A_19 = tpu.memref_slice %arg4[%run_scoped3A_17, %mul3A_2] : memref<2x16384xf32, #tpu.memory_space<hbm>> -> memref<1x512xf32, #tpu.memory_space<hbm>>
      %dma_start3A_20 = tpu.memref_squeeze %dma_start3A_19 : memref<1x512xf32, #tpu.memory_space<hbm>> -> memref<512xf32, #tpu.memory_space<hbm>>
      %dma_start3A_21 = tpu.memref_slice %arg4[%run_scoped3A_17, %mul3A_2] : memref<2x16384xf32, #tpu.memory_space<hbm>> -> memref<1x512xf32, #tpu.memory_space<hbm>>
      %dma_start3A_22 = tpu.memref_squeeze %dma_start3A_21 : memref<1x512xf32, #tpu.memory_space<hbm>> -> memref<512xf32, #tpu.memory_space<hbm>>
      tpu.enqueue_dma source(%arg9 : memref<512xf32, #tpu.memory_space<vmem>>) target(%dma_start3A_22 : memref<512xf32, #tpu.memory_space<hbm>>) target_semaphore(%run_scoped3A_18 : memref<!tpu.dma_semaphore, #tpu.memory_space<semaphore_mem>>)
      %dma_wait3A_23 = tpu.memref_slice %arg4[%run_scoped3A_17, %mul3A_2] : memref<2x16384xf32, #tpu.memory_space<hbm>> -> memref<1x512xf32, #tpu.memory_space<hbm>>
      %dma_wait3A_24 = tpu.memref_squeeze %dma_wait3A_23 : memref<1x512xf32, #tpu.memory_space<hbm>> -> memref<512xf32, #tpu.memory_space<hbm>>
      %dma_wait3A_25 = tpu.memref_slice %arg4[%run_scoped3A_17, %mul3A_2] : memref<2x16384xf32, #tpu.memory_space<hbm>> -> memref<1x512xf32, #tpu.memory_space<hbm>>
      %dma_wait3A_26 = tpu.memref_squeeze %dma_wait3A_25 : memref<1x512xf32, #tpu.memory_space<hbm>> -> memref<512xf32, #tpu.memory_space<hbm>>
      tpu.wait_dma2 semaphore(%run_scoped3A_18 : memref<!tpu.dma_semaphore, #tpu.memory_space<semaphore_mem>>) src(%arg9 : memref<512xf32, #tpu.memory_space<vmem>>) dst(%dma_wait3A_26 : memref<512xf32, #tpu.memory_space<hbm>>)
      tpu.yield
    }) : () -> ()
    return
  }
}

module attributes {stable_mosaic.version = 14 : i64} {
  func.func @_logits_kernel(%arg0: i32, %arg1: memref<1024x2048xf32, #tpu.memory_space<vmem>>, %arg2: memref<16x2048xf32, #tpu.memory_space<vmem>>, %arg3: memref<16x1xf32, #tpu.memory_space<vmem>>, %arg4: memref<16x1024xf32, #tpu.memory_space<vmem>>) attributes {dimension_semantics = [#tpu.dimension_semantics<arbitrary>], iteration_bounds = array<i64: 16>, scalar_prefetch = 0 : i64, scratch_operands = 0 : i64, tpu.core_type = #tpu.core_type<tc>, window_params = [{transform_indices = @transform_0, window_bounds = array<i64: 1024, 2048>}, {pipeline_mode = #tpu.pipeline_mode<synchronous>, transform_indices = @transform_1, window_bounds = array<i64: 16, 2048>}, {pipeline_mode = #tpu.pipeline_mode<synchronous>, transform_indices = @transform_2, window_bounds = array<i64: 16, 1>}, {transform_indices = @transform_3, window_bounds = array<i64: 16, 1024>}]} {
    %get3A = arith.constant 0 : index
    %get3A_0 = arith.constant 0 : index
    %get3A_1 = vector.load %arg1[%get3A, %get3A_0] : memref<1024x2048xf32, #tpu.memory_space<vmem>>, vector<1024x2048xf32>
    %get3A_2 = arith.constant 0 : index
    %get3A_3 = arith.constant 0 : index
    %get3A_4 = vector.load %arg2[%get3A_2, %get3A_3] : memref<16x2048xf32, #tpu.memory_space<vmem>>, vector<16x2048xf32>
    %dot_general3A = arith.constant dense<0.000000e+00> : vector<16x1024xf32>
    %dot_general3A_5 = tpu.matmul %get3A_4, %get3A_1, %dot_general3A {dimension_numbers = #tpu.dot_dimension_numbers<[1], [1], [0], [0], [0, 0, 1, 0], [], []>, transpose_lhs_hint = false} : vector<16x2048xf32>, vector<1024x2048xf32>, vector<16x1024xf32> -> vector<16x1024xf32>
    %get3A_6 = arith.constant 0 : index
    %get3A_7 = arith.constant 0 : index
    %get3A_8 = vector.load %arg3[%get3A_6, %get3A_7] : memref<16x1xf32, #tpu.memory_space<vmem>>, vector<16x1xf32>
    %add3A = vector.broadcast %get3A_8 : vector<16x1xf32> to vector<16x1024xf32>
    %add3A_9 = arith.addf %dot_general3A_5, %add3A : vector<16x1024xf32>
    %swap3A = arith.constant 0 : index
    %swap3A_10 = arith.constant 0 : index
    %swap3A_11 = vector.load %arg4[%swap3A, %swap3A_10] : memref<16x1024xf32, #tpu.memory_space<vmem>>, vector<16x1024xf32>
    tpu.vector_store %arg4[%swap3A, %swap3A_10], %add3A_9 {strides = array<i32>} : memref<16x1024xf32, #tpu.memory_space<vmem>>, vector<16x1024xf32>,
    return
  }
  func.func @transform_0(%arg0: i32) -> (i32, i32) {
    %c0_i32 = arith.constant 0 : i32
    %c0_i32_0 = arith.constant 0 : i32
    return %arg0, %c0_i32 : i32, i32
  }
  func.func @transform_1(%arg0: i32) -> (i32, i32) {
    %c0_i32 = arith.constant 0 : i32
    %c0_i32_0 = arith.constant 0 : i32
    %c0_i32_1 = arith.constant 0 : i32
    return %c0_i32, %c0_i32_0 : i32, i32
  }
  func.func @transform_2(%arg0: i32) -> (i32, i32) {
    %c0_i32 = arith.constant 0 : i32
    %c0_i32_0 = arith.constant 0 : i32
    %c0_i32_1 = arith.constant 0 : i32
    return %c0_i32, %c0_i32_0 : i32, i32
  }
  func.func @transform_3(%arg0: i32) -> (i32, i32) {
    %c0_i32 = arith.constant 0 : i32
    %c0_i32_0 = arith.constant 0 : i32
    return %c0_i32, %arg0 : i32, i32
  }
}

</mosaic_0001>

<sc_bundles>
// kernel: kernel.4.cloned.1.call-start
scs
__scs_entry_jumppad:
0x0: {  	(pc) =	sbr.rel $0x88, $3  }
0x1: {  	(tag) =	ssettag $0x0;
	lr =	simm.s32 $0x1  }
0x2: {  	[smem:$0x3F9E] =	sst lr;
	_ =	strace $0xD0000000  }
0x3: {  	_ = 	snop  }
0x4: {  	_ = 	snop  }
0x5: {  	_ = 	snop  }
0x6: {  	_ = 	snop  }
0x7: {  	_ = 	snop  }
__scs_overlays_trampoline_lowered:
0x8: {  	[smem:$0x3FAD] =	sst s0  }
0x9: {  	[smem:$0x3FAE] =	sst s1  }
0xa: {  	[smem:$0x3FAF] =	sst s2  }
0xb: {  	[smem:$0x3FB0] =	sst s3  }
0xc: {  	[smem:$0x3FB1] =	sst s4  }
0xd: {  	[smem:$0x3FB2] =	sst s5  }
0xe: {  	[smem:$0x3FB3] =	sst s6  }
0xf: {  	[smem:$0x3FB4] =	sst s7  }
0x10: {  	[smem:$0x3FB5] =	sst s8  }
0x11: {  	[smem:$0x3FB6] =	sst s9;
	s0 =	simm.s32 @!p0 $0x0  }
0x12: {  	s1 =	sld [smem:$0x3F9C];
	s0 =	simm.s32 @p0 $0x1  }
0x13: {  	[smem:$0x3FB7] =	sst s0;
	s0 =	simm.s32 @!p1 $0x0  }
0x14: {  	s2 =	sld [smem:$0x3F9B];
	s0 =	simm.s32 @p1 $0x1  }
0x15: {  	[smem:$0x3FB8] =	sst s0;
	s0 =	simm.s32 @!p2 $0x0  }
0x16: {  	s3 =	sld [smem:$0x3FDB];
	s0 =	simm.s32 @p2 $0x1  }
0x17: {  	s4 =	simm.s32 $0x1BF5;
	[smem:$0x3FBA] =	sst s0  }
0x18: {  	s0 =	sld [smem:$0x3F9D];
	_ =	swait.ge [sflag:s4], $0x0  }
0x19: {  	s7 =	sld [smem:$0x3F9E]  }
0x1a: {  	s8 =	sadd.s32 $0xFFFFE003, lr  }
0x1b: {  	s9 =	sadd.s32 $0xFFFFFEF7, lr;
	s5 =	simm.s32 $0xFFFFFFFF;
	p2 =	slt.u32 s8, $0xFFFFF086  }
0x1c: {  	p1 =	slt.u32 s9, $0xF7A;
	s5 =	simm.s32 @!p2 $0x0  }
0x1d: {  	s5 =	simm.s32 @p1 $0x1;
	p0 =	seq.s32 s7, s2  }
0x1e: {  	s7 =	smul.u32 @!p0 $0xF7A, s2;
	p2 =	seq.s32 @!p0 s5, $0x0  }
0x1f: {  	s9 =	smul.u32 $0xF7A, s1;
	s8 =	simm.s32 @!p0 $0x1BF5;
	p2 =	por !p2, p0  }
0x20: {  	[sflag:s8] =	ssyncset.s32 @!p0 $0xFFFFF086;
	s6 =	sadd.s32 @!p0 s3, s7;
	s7 =	simm.s32 @!p0 $0x108  }
0x21: {  	s3 =	sadd.s32 s3, s9;
	s6 =	sadd.s32 @!p0 $0x88, s6;
	s7 =	simm.s32 @p2 $0x1082  }
0x22: {  	[simem:s7], [sflag:s8] =	dma.local @!p0 [hbm:s6], $0xF7A  }
0x23: {  	s9 =	sor.u32 $0xD0000000, s2;
	s6 =	simm.s32 $0x108;
	_ =	swait.ge @!p0 [sflag:s8], $0x0  }
0x24: {  	s3 =	sadd.s32 $0x88, s3;
	s6 =	simm.s32 @!p1 $0x1082;
	[sflag:s4] =	ssyncset.s32 $0xFFFFF086  }
0x25: {  	[simem:s6], [sflag:s4] =	dma.local [hbm:s3], $0xF7A  }
0x26: {  	[smem:$0x3F9E] =	sst s1;
	(tag) =	ssettag s2;
	_ =	strace s9  }
0x27: {  	s1 =	sld [smem:$0x3FAE]  }
0x28: {  	s2 =	sld [smem:$0x3FAF]  }
0x29: {  	s4 =	sld [smem:$0x3FB1]  }
0x2a: {  	p0 =	seq.s32 s5, $0x0;
	s5 =	sld [smem:$0x3FB2]  }
0x2b: {  	s6 =	sld [smem:$0x3FB3]  }
0x2c: {  	s7 =	sld [smem:$0x3FB4]  }
0x2d: {  	s3 =	simm.s32 $0x108;
	s8 =	sld [smem:$0x3FB5]  }
0x2e: {  	s3 =	simm.s32 @!p0 $0x1082;
	s9 =	sld [smem:$0x3FB6]  }
0x2f: {  	lr =	sadd.s32 s0, s3;
	s0 =	sld [smem:$0x3FAD]  }
0x30: {  	s3 =	sld [smem:$0x3FB0]  }
0x31: {  	[smem:$0x3FB9] =	sst s10  }
0x32: {  	s10 =	sld [smem:$0x3FB7];
	_ =	sdelay $0x3  }
0x33: {  	p0 =	seq.s32 s10, $0x1;
	s10 =	sld [smem:$0x3FB9];
	_ =	sdelay $0x3  }
0x34: {  	[smem:$0x3FB9] =	sst s10  }
0x35: {  	s10 =	sld [smem:$0x3FB8];
	_ =	sdelay $0x3  }
0x36: {  	p1 =	seq.s32 s10, $0x1;
	s10 =	sld [smem:$0x3FB9];
	_ =	sdelay $0x3  }
0x37: {  	[smem:$0x3FB9] =	sst s10  }
0x38: {  	s10 =	sld [smem:$0x3FBA]  }
0x39: {  	_ = 	snop;
	(pc) =	sbr.ind lr, $3  }
0x3a: {  	_ = 	snop  }
0x3b: {  	_ = 	snop  }
0x3c: {  	p2 =	seq.s32 s10, $0x1;
	s10 =	sld [smem:$0x3FB9]  }
0x3d: {  	_ =	shalt  }
0x3e: {  	_ =	shalt  }
0x3f: {  	_ =	shalt  }
0x40: {  	_ =	shalt  }
0x41: {  	_ =	shalt  }
0x42: {  	_ =	shalt  }
0x43: {  	_ =	shalt  }
0x44: {  	_ =	shalt  }
0x45: {  	_ =	shalt  }
0x46: {  	_ =	shalt  }
0x47: {  	_ =	shalt  }
0x48: {  	_ =	shalt  }
0x49: {  	_ =	shalt  }
0x4a: {  	_ =	shalt  }
0x4b: {  	_ =	shalt  }
0x4c: {  	_ =	shalt  }
0x4d: {  	_ =	shalt  }
0x4e: {  	_ =	shalt  }
0x4f: {  	_ =	shalt  }
0x50: {  	_ =	shalt  }
0x51: {  	_ =	shalt  }
0x52: {  	_ =	shalt  }
0x53: {  	_ =	shalt  }
0x54: {  	_ =	shalt  }
0x55: {  	_ =	shalt  }
0x56: {  	_ =	shalt  }
0x57: {  	_ =	shalt  }
0x58: {  	_ =	shalt  }
0x59: {  	_ =	shalt  }
0x5a: {  	_ =	shalt  }
0x5b: {  	_ =	shalt  }
0x5c: {  	_ =	shalt  }
0x5d: {  	_ =	shalt  }
0x5e: {  	_ =	shalt  }
0x5f: {  	_ =	shalt  }
0x60: {  	_ =	shalt  }
0x61: {  	_ =	shalt  }
0x62: {  	_ =	shalt  }
0x63: {  	_ =	shalt  }
0x64: {  	_ =	shalt  }
0x65: {  	_ =	shalt  }
0x66: {  	_ =	shalt  }
0x67: {  	_ =	shalt  }
0x68: {  	_ =	shalt  }
0x69: {  	_ =	shalt  }
0x6a: {  	_ =	shalt  }
0x6b: {  	_ =	shalt  }
0x6c: {  	_ =	shalt  }
0x6d: {  	_ =	shalt  }
0x6e: {  	_ =	shalt  }
0x6f: {  	_ =	shalt  }
0x70: {  	_ =	shalt  }
0x71: {  	_ =	shalt  }
0x72: {  	_ =	shalt  }
0x73: {  	_ =	shalt  }
0x74: {  	_ =	shalt  }
0x75: {  	_ =	shalt  }
0x76: {  	_ =	shalt  }
0x77: {  	_ =	shalt  }
0x78: {  	_ =	shalt  }
0x79: {  	_ =	shalt  }
0x7a: {  	_ =	shalt  }
0x7b: {  	_ =	shalt  }
0x7c: {  	_ =	shalt  }
0x7d: {  	_ =	shalt  }
0x7e: {  	_ =	shalt  }
0x7f: {  	_ =	shalt  }
0x80: {  	_ =	shalt  }
0x81: {  	_ =	shalt  }
0x82: {  	_ =	shalt  }
0x83: {  	_ =	shalt  }
0x84: {  	_ =	shalt  }
0x85: {  	_ =	shalt  }
0x86: {  	_ =	shalt  }
0x87: {  	_ =	shalt  }
.Lfunc_end0:
.L_simem_size_0:
called_computation_lowered:
.L_overlay_start_0:
0x88: {  	s2 =	sld [smem:$0x3FD9]  }
0x89: {  	s3 =	sld [smem:$0x3FFE];
	_ =	sdelay $0x1  }
0x8a: {  	s1 =	srdreg.scid  }
0x8b: {  	s0 =	sand.u32 $0x1, s1  }
0x8c: {  	s14 =	sshll.u32 s0, $0xA;
	s2 =	sadd.s32 s3, s2  }
0x8d: {  	s2 =	sadd.s32 s2, s14  }
0x8e: {  	[smem:$0x3FC5] =	sst s2  }
0x8f: {  	_ = 	snop  }
0x90: {  	s2 =	sld [smem:$0x3FD0];
	_ =	sdelay $0x2  }
0x91: {  	s15 =	simm.s32 $0xA;
	s4 =	simm.s32 $0x10  }
0x92: {  	[smem:s4], [sflag:s15] =	dma.local [hbm:s2], $0x1  }
0x93: {  	_ =	swait.eq [sflag:s15], $0x1  }
0x94: {  	[sflag:s15] =	ssyncset.done $0x0  }
0x95: {  	s16 =	sld [smem:$0x10];
	[sflag:s15] =	ssyncadd.s32 $0xFFFFFFFF  }
0x96: {  	s17 =	sld [smem:$0x11];
	(tm) =	ssettm $0x1  }
0x97: {  	s18 =	sld [smem:$0x3FFB];
	_ =	sdelay $0x3  }
0x98: {  	_ =	strace s18  }
0x99: {  	s4 =	sld [smem:$0x3FFC];
	_ =	sdelay $0x3  }
0x9a: {  	_ =	strace s4  }
0x9b: {  	s4 =	sld [smem:$0x3FFD];
	_ =	sdelay $0x3  }
0x9c: {  	_ =	strace s4  }
0x9d: {  	_ =	strace $0x8FFFFFFF  }
0x9e: {  	s19 =	sld [smem:$0x3FDB];
	_ =	sdelay $0x1  }
0x9f: {  	s5 =	simm.s32 $_scs_section_size  }
0xa0: {  	s6 =	simm.s32 $_size__tile_overlayer_lowered;
	s7 =	simm.s32 $_tile_overlayer_lowered  }
0xa1: {  	s22 =	simm.s32 $0x1BFF;
	s21 =	sshll.u32 s7, $0x1;
	s4 =	sadd.s32 s5, s19  }
0xa2: {  	s8 =	simm.s32 $0x0;
	s20 =	sshll.u32 s6, $0x1;
	s6 =	sadd.s32 s21, s4  }
0xa3: {  	[timem:s8], [sflag:s22] =	dma.local [hbm:s6], s20  }
0xa4: {  	_ =	swait.ge [sflag:s22], s20  }
0xa5: {  	s5 =	ssub.s32 $0x0, s20;
	[sflag:s22] =	ssyncset.done $0x0  }
0xa6: {  	[sflag:s22] =	ssyncadd.s32 s5;
	_ =	sdelay $0x1  }
0xa7: {  	s23 =	simm.s32 $0x1B8B  }
0xa8: {  	_ =	swait.ge [sflag:s23], $0x1  }
0xa9: {  	[sflag:s23] =	ssyncset.done $0x0  }
0xaa: {  	s25 =	simm.s32 $0x1B8E;
	s24 =	sld [smem:$0x3FFE];
	[sflag:s23] =	ssyncadd.s32 $0xFFFFFFFF  }
0xab: {  	s26 =	simm.s32 $execute0_lowered;
	[smem:$0x3FD2] =	sst s25  }
0xac: {  	s6 =	sshll.u32 s26, $0x1;
	_ =	strace $0x80000046;
	[dreg:$0x1] =	wrdreg $0xFFFFFFFF  }
0xad: {  	s28 =	simm.s32 $_size_execute0_lowered;
	s4 =	sadd.s32 s4, s6;
	[dreg:$0x0] =	wrdreg $0x0  }
0xae: {  	s6 =	sshll.u32 s28, $0x1;
	[dreg:$0x2] =	wrdreg s4  }
0xaf: {  	[dreg:$0x3] =	wrdreg s6  }
0xb0: {  	[dreg:$0x4] =	wrdreg $0xC0  }
0xb1: {  	_ =	task [dreg:s8], $0x5FFFF  }
0xb2: {  	[dreg:$0x1] =	wrdreg $0xFFFFFFFF  }
0xb3: {  	[dreg:$0x0] =	wrdreg $0x60  }
0xb4: {  	[dreg:$0x2] =	wrdreg s24  }
0xb5: {  	[dreg:$0x3] =	wrdreg s16  }
0xb6: {  	[dreg:$0x4] =	wrdreg s17  }
0xb7: {  	[dreg:$0x5] =	wrdreg $0x9  }
0xb8: {  	_ =	task.clear_ibuf [dreg:s8], $0x6FFFF;
	_ =	strace $0x90000046  }
0xb9: {  	s29 =	simm.s32 $0x9;
	_ =	strace $0x80000048  }
0xba: {  	_ =	swait.ge [sflag:s29], $0x1  }
0xbb: {  	[sflag:s29] =	ssyncadd.s32 $0xFFFFFFFF  }
0xbc: {  	_ =	strace $0x90000048  }
0xbd: {  	_ =	sfence  }
0xbe: {  	s30 =	sld [smem:$0x0];
	_ =	sdelay $0x2  }
0xbf: {  	s31 =	sshll.u32 s1, $0xD;
	s1 =	sshrl.u32 s1, $0x2  }
0xc0: {  	s3 =	sand.u32 $0x4000, s31;
	s1 =	sadd.s32 s1, s30  }
0xc1: {  	s0 =	sor.u32 s3, s0;
	s1 =	sshll.u32 s1, $0x11  }
0xc2: {  	s0 =	sor.u32 s1, s0  }
0xc3: {  	s0 =	sadd.s32 $0x8F2B, s0  }
0xc4: {  	[sflag:s0] =	ssyncadd.remote.s32 $0x1  }
0xc5: {  	_ =	sfence.sel $0xFFFF  }
0xc6: {  	[dreg:$0x0] =	wrdreg $0xFFFFFFFF;
	(pc) =	sbr.abs _section_cstart, $3  }
0xc7: {  	[dreg:$0x1] =	wrdreg $0xFFFFFFFF  }
0xc8: {  	_ =	task.clear_ibuf [dreg:s8], $0x2FFFF;
	_ =	strace $0x9FFFFFFF  }
0xc9: {  	(tm) =	ssettm $0x7FFFFFFF  }
tec
execute0_lowered:
.L_overlay_start_1:
0x0: {  	(tag) =	ssettag $0x1  }
0x1: {  	s3 =	rddreg [dreg:$0x0]  }
0x2: {  	s5 =	rddreg [dreg:$0x1]  }
0x3: {  	s7 =	rddreg [dreg:$0x2]  }
0x4: {  	s0 =	rddreg [dreg:$0x3];
	s2 =	simm.s32 $0x0;
	s4 =	srdreg.scid  }
0x5: {  	s1 =	stileid.u32;
	s10 =	simm.s32 $0x20000;
	s11 =	simm.s32 $0x1  }
0x6: {  	s12 =	simm.s32 $0x80;
	s13 =	simm.s32 $0x100;
	s14 =	simm.s32 $0x2000  }
0x7: {  	s15 =	simm.s32 $0x2;
	s16 =	simm.s32 $0x2200;
	s17 =	simm.s32 $0x2400  }
0x8: {  	s18 =	simm.s32 $0x2600;
	s19 =	simm.s32 $0x0;
	s4 =	sand.u32 $0x1, s4  }
0x9: {  	[smem:$0x7FF] =	sst s2;
	s6 =	sshll.u32 s1, $0xA;
	s8 =	sshll.u32 s4, $0x9  }
0xa: {  	s4 =	ssub.s32 $0x2, s4;
	_ =	strace $0x80000047;
	s6 =	sor.u32 s8, s6  }
0xb: {  	s31 =	sshrl.u32 s4, $0x1;
	s3 =	sadd.s32 s6, s3;
	s6 =	sshrl.u32 s6, $0x2  }
0xc: {  	s8 =	ssub.s32 s4, s31;
	s3 =	sadd.s32 $0xC00, s3;
	s4 =	sadd.s32 s5, s6  }
0xd: {  	s9 =	sor.u32 $0x10, s6;
	s6 =	sadd.s32 s7, s6;
	s8 =	smax.u32 s8, $0x1  }
0xe: {  	v0 =	vimm.s32 $0x0;
	s5 =	sadd.s32 s5, s9;
	s7 =	sadd.s32 s7, s9;
	s9 =	simm.s32 $0x1000  }
.LBB2_1:
0xf: {  	[tilespmem:s2], [sflag:$0x1] =	stream.strided.gather [hbm4b:s3+s9], $0x2000, s10, s9, $0x38;
	[tilespmem:$0x2800] =	vst v63  }
0x10: {  	_ =	swait.ge [sflag:s11], $0x2000  }
0x11: {  	s20 =	sand.u32 $0x70, s2;
	s21 =	sand.u32 $0xC00, s2;
	[sflag:s11] =	ssyncset.done $0x0  }
0x12: {  	s20 =	sor.u32 s20, s21;
	[sflag:s11] =	ssyncadd.s32 $0xFFFFE000  }
0x13: {  	v1 =	vld [tilespmem:s20+$0x80]  }
0x14: {  	v2 =	vld [tilespmem:s20+$0x0];
	_ =	sdelay $0x2  }
0x15: {  	v3 =	vld [tilespmem:s20+$0x100]  }
0x16: {  	vm0 =	vlt.f32 v1, $-Inf;
	vm1 =	vgt.f32 v1, $-Inf  }
0x17: {  	vm12 =	vgt.f32 v1, v2;
	vm14 =	vmor vm1, vm0  }
0x18: {  	v5 =	vld [tilespmem:s20+$0x180];
	vm0 =	vmneg vm12;
	v4 =	vnsel vm14, $0xFF800000, v1  }
0x19: {  	v4 =	vsel vm0, v4, v2  }
0x1a: {  	v1 =	vsel vm0, v2, v1;
	vm15 =	vgt.f32 v3, v4  }
0x1b: {  	vm9 =	vgt.f32 v3, v1;
	v2 =	vsel vm15, v3, v4  }
0x1c: {  	v40 =	vld [tilespmem:s20+$0x200];
	v2 =	vsel vm9, v1, v2  }
0x1d: {  	v1 =	vsel vm9, v3, v1;
	v3 =	vimm.s32 $0x0;
	vm4 =	vgt.f32 v5, v2  }
0x1e: {  	v3 =	vsel vm4, $0xFFFFFFFF, v3  }
0x1f: {  	vm11 =	vgt.f32 v5, v1;
	v2 =	vsel vm4, v5, v2;
	[tilespmem:$0x1FF50] =	vst v3;
	v3 =	vld [tilespmem:s20+$0x280]  }
0x20: {  	v2 =	vsel vm11, v1, v2  }
0x21: {  	v1 =	vsel vm11, v5, v1;
	vm5 =	vgt.f32 v40, v2  }
0x22: {  	v42 =	vld [tilespmem:s20+$0x300];
	vm8 =	vgt.f32 v40, v1;
	v2 =	vsel vm5, v40, v2  }
0x23: {  	v2 =	vsel vm8, v1, v2  }
0x24: {  	v1 =	vsel vm8, v40, v1;
	vm13 =	vgt.f32 v3, v2  }
0x25: {  	v41 =	vimm.s32 $0x0;
	vm7 =	vgt.f32 v3, v1;
	v2 =	vsel vm13, v3, v2  }
0x26: {  	v44 =	vld [tilespmem:s20+$0x380];
	v5 =	vsel vm5, $0xFFFFFFFF, v41;
	v2 =	vsel vm7, v1, v2  }
0x27: {  	v1 =	vsel vm7, v3, v1;
	v3 =	vimm.s32 $0x0;
	vm5 =	vgt.f32 v42, v2  }
0x28: {  	v3 =	vsel vm5, $0xFFFFFFFF, v3  }
0x29: {  	vm10 =	vgt.f32 v42, v1;
	v2 =	vsel vm5, v42, v2;
	[tilespmem:$0x1FF80] =	vst v3;
	v3 =	vld [tilespmem:s20+$0x1000]  }
0x2a: {  	v2 =	vsel vm10, v1, v2  }
0x2b: {  	v43 =	vimm.s32 $0x0;
	v1 =	vsel vm10, v42, v1;
	vm6 =	vgt.f32 v44, v2  }
0x2c: {  	v46 =	vld [tilespmem:s20+$0x1080];
	v4 =	vsel vm13, $0xFFFFFFFF, v43;
	vm13 =	vgt.f32 v44, v1;
	v2 =	vsel vm6, v44, v2  }
0x2d: {  	v2 =	vsel vm13, v1, v2  }
0x2e: {  	v45 =	vimm.s32 $0x0;
	v1 =	vsel vm13, v44, v1;
	vm4 =	vgt.f32 v3, v2  }
0x2f: {  	[tilespmem:$0x1FF60] =	vst v5;
	v5 =	vsel vm6, $0xFFFFFFFF, v45;
	vm6 =	vgt.f32 v3, v1;
	v2 =	vsel vm4, v3, v2  }
0x30: {  	v48 =	vld [tilespmem:s20+$0x1100];
	v2 =	vsel vm6, v1, v2  }
0x31: {  	v1 =	vsel vm6, v3, v1;
	v3 =	vimm.s32 $0x0;
	vm5 =	vgt.f32 v46, v2  }
0x32: {  	v3 =	vsel vm5, $0xFFFFFFFF, v3  }
0x33: {  	v2 =	vsel vm5, v46, v2;
	vm5 =	vgt.f32 v46, v1;
	[tilespmem:$0x1FFB0] =	vst v3;
	v3 =	vld [tilespmem:s20+$0x1180]  }
0x34: {  	v47 =	vimm.s32 $0x0;
	v49 =	vimm.s32 $0x0;
	v2 =	vsel vm5, v1, v2  }
0x35: {  	[tilespmem:$0x1FF70] =	vst v4;
	v4 =	vsel vm4, $0xFFFFFFFF, v47;
	v1 =	vsel vm5, v46, v1;
	vm4 =	vgt.f32 v48, v2  }
0x36: {  	v50 =	vld [tilespmem:s20+$0x1200];
	[tilespmem:$0x1FF90] =	vst v5;
	v5 =	vsel vm4, $0xFFFFFFFF, v49;
	v2 =	vsel vm4, v48, v2;
	vm4 =	vgt.f32 v48, v1  }
0x37: {  	v2 =	vsel vm4, v1, v2  }
0x38: {  	v1 =	vsel vm4, v48, v1;
	vm1 =	vgt.f32 v3, v2  }
0x39: {  	v51 =	vimm.s32 $0x0;
	vm3 =	vgt.f32 v3, v1;
	v2 =	vsel vm1, v3, v2  }
0x3a: {  	v52 =	vld [tilespmem:s20+$0x1280];
	[tilespmem:$0x1FFA0] =	vst v4;
	v4 =	vsel vm1, $0xFFFFFFFF, v51;
	v2 =	vsel vm3, v1, v2  }
0x3b: {  	v1 =	vsel vm3, v3, v1;
	v3 =	vimm.s32 $0x0;
	vm1 =	vgt.f32 v50, v2  }
0x3c: {  	v3 =	vsel vm1, $0xFFFFFFFF, v3  }
0x3d: {  	vm2 =	vgt.f32 v50, v1;
	v2 =	vsel vm1, v50, v2;
	[tilespmem:$0x1FFE0] =	vst v3;
	v3 =	vld [tilespmem:s20+$0x1300]  }
0x3e: {  	v2 =	vsel vm2, v1, v2  }
0x3f: {  	v53 =	vimm.s32 $0x0;
	v56 =	vld [tilespmem:$0x1FF50];
	v1 =	vsel vm2, v50, v1;
	vm1 =	vgt.f32 v52, v2  }
0x40: {  	v54 =	vld [tilespmem:s20+$0x1380];
	[tilespmem:$0x1FFC0] =	vst v5;
	v5 =	vsel vm1, $0xFFFFFFFF, v53;
	v2 =	vsel vm1, v52, v2;
	vm1 =	vgt.f32 v52, v1  }
0x41: {  	v6 =	vsel vm12, $0x1, v0;
	v2 =	vsel vm1, v1, v2  }
0x42: {  	vm0 =	vmand vm0, vm14;
	v1 =	vsel vm1, v52, v1;
	vm14 =	vgt.f32 v3, v2  }
0x43: {  	v55 =	vsel vm0, $0x1, v0;
	v57 =	vld [tilespmem:$0x1FF60];
	vm0 =	vgt.f32 v3, v1;
	v2 =	vsel vm14, v3, v2  }
0x44: {  	[tilespmem:$0x1FFD0] =	vst v4;
	v4 =	vsel vm15, $0x2, v55;
	vm15 =	vnez.u8 v56;
	v2 =	vsel vm0, v1, v2  }
0x45: {  	v58 =	vld [tilespmem:$0x1FF70];
	v4 =	vsel vm9, v6, v4;
	v1 =	vsel vm0, v3, v1;
	vm12 =	vgt.f32 v54, v2  }
0x46: {  	v3 =	vsel vm9, $0x2, v6;
	vm9 =	vgt.f32 v54, v1;
	v2 =	vsel vm12, v54, v2  }
0x47: {  	v4 =	vsel vm15, $0x3, v4;
	v2 =	vsel vm9, v1, v2;
	v1 =	vsel vm9, v54, v1  }
0x48: {  	vm15 =	vnez.u8 v57;
	v1 =	vsub.f32 v2, v1;
	v2 =	vsel vm11, v3, v4  }
0x49: {  	v3 =	vsel vm11, $0x3, v3;
	v2 =	vsel vm15, $0x4, v2  }
0x4a: {  	vm15 =	vnez.u8 v58;
	v2 =	vsel vm8, v3, v2;
	v1 =	vmul.f32 $1.442695020e+00, v1  }
0x4b: {  	v3 =	vsel vm8, $0x4, v3;
	v2 =	vsel vm15, $0x5, v2  }
0x4c: {  	(erf) = vpow2.f32 v1;
	v1 =	vsel vm7, v3, v2;
	v2 =	vld [tilespmem:$0x1FF80];
	_ =	sdelay $0x4  }
0x4d: {  	vm15 =	vnez.u8 v2;
	v2 =	vsel vm7, $0x5, v3;
	v3 =	vld [tilespmem:$0x1FF90];
	_ =	sdelay $0x4  }
0x4e: {  	vm11 =	vnez.u8 v3;
	v3 =	vld [tilespmem:$0x1FFA0];
	_ =	sdelay $0x1  }
0x4f: {  	v1 =	vsel vm15, $0x6, v1  }
0x50: {  	v1 =	vsel vm10, v2, v1  }
0x51: {  	v2 =	vsel vm10, $0x6, v2;
	v1 =	vsel vm11, $0x7, v1  }
0x52: {  	v1 =	vsel vm13, v2, v1;
	v2 =	vsel vm13, $0x7, v2;
	vm13 =	vnez.u8 v3;
	v3 =	vld [tilespmem:$0x1FFB0];
	_ =	sdelay $0x4  }
0x53: {  	vm15 =	vnez.u8 v3;
	v3 =	vld [tilespmem:$0x1FFC0];
	_ =	sdelay $0x1  }
0x54: {  	v60 =	vld [tilespmem:$0x1FFD0];
	v1 =	vsel vm13, $0x8, v1  }
0x55: {  	v1 =	vsel vm6, v2, v1  }
0x56: {  	v61 =	vld [tilespmem:$0x1FFE0];
	v2 =	vsel vm6, $0x8, v2;
	v1 =	vsel vm15, $0x9, v1  }
0x57: {  	[tilespmem:$0x1FFF0] =	vst v5;
	v1 =	vsel vm5, v2, v1;
	vm10 =	vnez.u8 v3  }
0x58: {  	v62 =	vld [tilespmem:$0x1FFF0];
	v2 =	vsel vm5, $0x9, v2;
	v1 =	vsel vm10, $0xA, v1  }
0x59: {  	vm11 =	vnez.u8 v60;
	v1 =	vsel vm4, v2, v1  }
0x5a: {  	v3 =	vpop (erf);
	v2 =	vsel vm4, $0xA, v2;
	v1 =	vsel vm11, $0xB, v1  }
0x5b: {  	vm13 =	vnez.u8 v61;
	v59 =	vadd.f32 $1.000000000e+00, v3;
	v1 =	vsel vm3, v2, v1  }
0x5c: {  	v2 =	vsel vm3, $0xB, v2;
	v1 =	vsel vm13, $0xC, v1  }
0x5d: {  	vm15 =	vnez.u8 v62;
	(erf) = vrcp.f32 v59;
	v1 =	vsel vm2, v2, v1  }
0x5e: {  	v2 =	vsel vm2, $0xC, v2;
	v1 =	vsel vm15, $0xD, v1  }
0x5f: {  	v1 =	vsel vm1, v2, v1  }
0x60: {  	v2 =	vsel vm1, $0xD, v2;
	v1 =	vsel vm14, $0xE, v1  }
0x61: {  	v1 =	vsel vm0, v2, v1  }
0x62: {  	v2 =	vsel vm0, $0xE, v2;
	v1 =	vsel vm12, $0xF, v1  }
0x63: {  	v1 =	vsel vm9, v2, v1  }
0x64: {  	s22 =	simm.s32 $0x10;
	v63 =	vsel vm9, $0xF, v2  }
0x65: {  	s30 =	simm.s32 $0x20;
	s24 =	simm.s32 $0x80;
	s25 =	simm.s32 $0x2600;
	[tilespmem:s14+$0x0] =	vst v63  }
0x66: {  	s23 =	simm.s32 $0x2000;
	s21 =	simm.s32 $0x2610;
	s28 =	sand.u32 $0x70, s22;
	[tilespmem:s16+$0x0] =	vst v1;
	v1 =	vpop (erf)  }
0x67: {  	s29 =	sand.u32 $0xC00, s24;
	s22 =	simm.s32 $0x2210;
	s20 =	simm.s32 $0x2410;
	[tilespmem:s17+$0x0] =	vst v1;
	v1 =	vmul.f32 v1, v3  }
.LBB2_2:
0x68: {  	s29 =	sor.u32 s28, s29;
	s23 =	sadd.s32 $0x10, s23  }
0x69: {  	[tilespmem:s25+$0x0] =	vst v1;
	s28 =	smov.u32 s30;
	s26 =	sadd.s32 $0x10, s30;
	s25 =	smov.u32 s21  }
0x6a: {  	p0 =	sne.s32 s30, $0x1F0;
	v1 =	vld [tilespmem:s29+$0x80]  }
0x6b: {  	v2 =	vld [tilespmem:s29+$0x0];
	_ =	sdelay $0x2  }
0x6c: {  	v3 =	vld [tilespmem:s29+$0x100]  }
0x6d: {  	vm0 =	vlt.f32 v1, $-Inf;
	vm1 =	vgt.f32 v1, $-Inf  }
0x6e: {  	vm2 =	vgt.f32 v1, v2;
	vm0 =	vmor vm1, vm0  }
0x6f: {  	vm1 =	vmneg vm2;
	v4 =	vnsel vm0, $0xFF800000, v1;
	v5 =	vld [tilespmem:s29+$0x180]  }
0x70: {  	vm0 =	vmand vm1, vm0;
	v4 =	vsel vm1, v4, v2;
	v1 =	vsel vm1, v2, v1  }
0x71: {  	v6 =	vsel vm2, $0x1, v0;
	v2 =	vsel vm0, $0x1, v0;
	vm0 =	vgt.f32 v3, v4  }
0x72: {  	vm1 =	vgt.f32 v3, v1;
	v2 =	vsel vm0, $0x2, v2;
	v4 =	vsel vm0, v3, v4;
	v7 =	vld [tilespmem:s29+$0x200]  }
0x73: {  	v2 =	vsel vm1, v6, v2;
	v4 =	vsel vm1, v1, v4  }
0x74: {  	v1 =	vsel vm1, v3, v1;
	vm0 =	vgt.f32 v5, v4  }
0x75: {  	v3 =	vsel vm1, $0x2, v6;
	vm1 =	vgt.f32 v5, v1;
	v4 =	vsel vm0, v5, v4;
	v6 =	vld [tilespmem:s29+$0x280]  }
0x76: {  	v2 =	vsel vm0, $0x3, v2;
	v8 =	vsel vm1, $0x3, v3;
	v4 =	vsel vm1, v1, v4  }
0x77: {  	v2 =	vsel vm1, v3, v2;
	v1 =	vsel vm1, v5, v1;
	vm0 =	vgt.f32 v7, v4  }
0x78: {  	vm1 =	vgt.f32 v7, v1;
	v2 =	vsel vm0, $0x4, v2;
	v3 =	vsel vm0, v7, v4;
	v4 =	vld [tilespmem:s29+$0x300]  }
0x79: {  	v2 =	vsel vm1, v8, v2;
	v3 =	vsel vm1, v1, v3;
	v1 =	vsel vm1, v7, v1  }
0x7a: {  	v5 =	vsel vm1, $0x4, v8;
	vm0 =	vgt.f32 v6, v3  }
0x7b: {  	vm1 =	vgt.f32 v6, v1;
	v2 =	vsel vm0, $0x5, v2;
	v3 =	vsel vm0, v6, v3;
	v7 =	vld [tilespmem:s29+$0x380]  }
0x7c: {  	v2 =	vsel vm1, v5, v2;
	v3 =	vsel vm1, v1, v3;
	v1 =	vsel vm1, v6, v1  }
0x7d: {  	vm0 =	vgt.f32 v4, v3  }
0x7e: {  	vm2 =	vgt.f32 v4, v1;
	v2 =	vsel vm0, $0x6, v2;
	v3 =	vsel vm0, v4, v3;
	v6 =	vld [tilespmem:s29+$0x1000]  }
0x7f: {  	v5 =	vsel vm1, $0x5, v5;
	v3 =	vsel vm2, v1, v3;
	v1 =	vsel vm2, v4, v1  }
0x80: {  	v2 =	vsel vm2, v5, v2;
	v4 =	vsel vm2, $0x6, v5;
	vm0 =	vgt.f32 v7, v3  }
0x81: {  	vm1 =	vgt.f32 v7, v1;
	v2 =	vsel vm0, $0x7, v2;
	v3 =	vsel vm0, v7, v3;
	v5 =	vld [tilespmem:s29+$0x1080]  }
0x82: {  	v2 =	vsel vm1, v4, v2;
	v3 =	vsel vm1, v1, v3;
	v1 =	vsel vm1, v7, v1  }
0x83: {  	v4 =	vsel vm1, $0x7, v4;
	vm0 =	vgt.f32 v6, v3  }
0x84: {  	vm1 =	vgt.f32 v6, v1;
	v2 =	vsel vm0, $0x8, v2;
	v3 =	vsel vm0, v6, v3;
	v7 =	vld [tilespmem:s29+$0x1100]  }
0x85: {  	v2 =	vsel vm1, v4, v2;
	v3 =	vsel vm1, v1, v3;
	v1 =	vsel vm1, v6, v1  }
0x86: {  	v4 =	vsel vm1, $0x8, v4;
	vm0 =	vgt.f32 v5, v3  }
0x87: {  	vm1 =	vgt.f32 v5, v1;
	v2 =	vsel vm0, $0x9, v2;
	v3 =	vsel vm0, v5, v3;
	v6 =	vld [tilespmem:s29+$0x1180]  }
0x88: {  	v2 =	vsel vm1, v4, v2;
	v3 =	vsel vm1, v1, v3;
	v1 =	vsel vm1, v5, v1  }
0x89: {  	v4 =	vsel vm1, $0x9, v4;
	vm0 =	vgt.f32 v7, v3  }
0x8a: {  	vm1 =	vgt.f32 v7, v1;
	v2 =	vsel vm0, $0xA, v2;
	v3 =	vsel vm0, v7, v3;
	v5 =	vld [tilespmem:s29+$0x1200]  }
0x8b: {  	v8 =	vsel vm1, $0xA, v4;
	v3 =	vsel vm1, v1, v3  }
0x8c: {  	v2 =	vsel vm1, v4, v2;
	v1 =	vsel vm1, v7, v1;
	vm0 =	vgt.f32 v6, v3  }
0x8d: {  	vm1 =	vgt.f32 v6, v1;
	v2 =	vsel vm0, $0xB, v2;
	v3 =	vsel vm0, v6, v3;
	v4 =	vld [tilespmem:s29+$0x1280]  }
0x8e: {  	v2 =	vsel vm1, v8, v2;
	v3 =	vsel vm1, v1, v3  }
0x8f: {  	v7 =	vsel vm1, $0xB, v8;
	v1 =	vsel vm1, v6, v1;
	vm0 =	vgt.f32 v5, v3  }
0x90: {  	vm1 =	vgt.f32 v5, v1;
	v2 =	vsel vm0, $0xC, v2;
	v3 =	vsel vm0, v5, v3;
	v6 =	vld [tilespmem:s29+$0x1300]  }
0x91: {  	v2 =	vsel vm1, v7, v2;
	v3 =	vsel vm1, v1, v3;
	v1 =	vsel vm1, v5, v1  }
0x92: {  	v5 =	vsel vm1, $0xC, v7;
	vm0 =	vgt.f32 v4, v3  }
0x93: {  	vm1 =	vgt.f32 v4, v1;
	v2 =	vsel vm0, $0xD, v2;
	v3 =	vsel vm0, v4, v3;
	v7 =	vld [tilespmem:s29+$0x1380]  }
0x94: {  	v2 =	vsel vm1, v5, v2;
	v3 =	vsel vm1, v1, v3;
	v1 =	vsel vm1, v4, v1  }
0x95: {  	vm0 =	vgt.f32 v6, v3  }
0x96: {  	vm2 =	vgt.f32 v6, v1;
	v2 =	vsel vm0, $0xE, v2;
	v3 =	vsel vm0, v6, v3  }
0x97: {  	v4 =	vsel vm1, $0xD, v5;
	v3 =	vsel vm2, v1, v3;
	v1 =	vsel vm2, v6, v1  }
0x98: {  	v2 =	vsel vm2, v4, v2;
	v4 =	vsel vm2, $0xE, v4;
	vm0 =	vgt.f32 v7, v3  }
0x99: {  	vm1 =	vgt.f32 v7, v1;
	v2 =	vsel vm0, $0xF, v2;
	v3 =	vsel vm0, v7, v3  }
0x9a: {  	v5 =	vsel vm1, $0xF, v4;
	v3 =	vsel vm1, v1, v3;
	v1 =	vsel vm1, v7, v1  }
0x9b: {  	v2 =	vsel vm1, v4, v2;
	v1 =	vsub.f32 v3, v1;
	[tilespmem:s23+$0x0] =	vst v5  }
0x9c: {  	[tilespmem:s22+$0x0] =	vst v2  }
0x9d: {  	v1 =	vmul.f32 $1.442695020e+00, v1;
	_ =	sdelay $0x1  }
0x9e: {  	(erf) = vpow2.f32 v1;
	_ =	sdelay $0x8  }
0x9f: {  	v1 =	vpop (erf)  }
0xa0: {  	v2 =	vadd.f32 $1.000000000e+00, v1;
	_ =	sdelay $0x1  }
0xa1: {  	(erf) = vrcp.f32 v2;
	_ =	sdelay $0x6  }
.Ltmp0:
0xa2: {  	(pc) =	sbr.rel @p0 .LBB2_2-.Ltmp0, $4  }
0xa3: {  	_ = 	snop  }
0xa4: {  	s24 =	sadd.s32 $0x80, s24;
	v2 =	vpop (erf)  }
0xa5: {  	s21 =	sadd.s32 $0x10, s21;
	s28 =	sand.u32 $0x70, s28;
	[tilespmem:s20+$0x0] =	vst v2;
	v1 =	vmul.f32 v2, v1;
	s20 =	sadd.s32 $0x10, s20  }
0xa6: {  	s30 =	smov.u32 s26;
	s29 =	sand.u32 $0xC00, s24;
	s22 =	sadd.s32 $0x10, s22  }
0xa7: {  	s24 =	sor.u32 s28, s29;
	[tilespmem:s25+$0x0] =	vst v1  }
0xa8: {  	v1 =	vld [tilespmem:s24+$0x80]  }
0xa9: {  	v2 =	vld [tilespmem:s24+$0x0];
	_ =	sdelay $0x2  }
0xaa: {  	v3 =	vld [tilespmem:s24+$0x100]  }
0xab: {  	vm0 =	vlt.f32 v1, $-Inf;
	vm1 =	vgt.f32 v1, $-Inf  }
0xac: {  	v4 =	vimm.s32 $0x0;
	vm14 =	vgt.f32 v1, v2;
	vm0 =	vmor vm1, vm0  }
0xad: {  	vm10 =	vmneg vm14;
	v4 =	vsel vm0, $0xFFFFFFFF, v4;
	v36 =	vnsel vm0, $0xFF800000, v1  }
0xae: {  	v5 =	vld [tilespmem:s24+$0x180];
	[tilespmem:$0x1FE80] =	vst v4;
	v4 =	vsel vm10, v36, v2  }
0xaf: {  	v1 =	vsel vm10, v2, v1;
	v2 =	vimm.s32 $0x0;
	vm6 =	vgt.f32 v3, v4  }
0xb0: {  	v2 =	vsel vm6, $0xFFFFFFFF, v2  }
0xb1: {  	vm12 =	vgt.f32 v3, v1;
	[tilespmem:$0x1FE90] =	vst v2;
	v2 =	vsel vm6, v3, v4  }
0xb2: {  	v37 =	vld [tilespmem:s24+$0x200];
	v2 =	vsel vm12, v1, v2  }
0xb3: {  	v1 =	vsel vm12, v3, v1;
	v3 =	vimm.s32 $0x0;
	vm7 =	vgt.f32 v5, v2  }
0xb4: {  	v3 =	vsel vm7, $0xFFFFFFFF, v3  }
0xb5: {  	vm9 =	vgt.f32 v5, v1;
	v2 =	vsel vm7, v5, v2;
	[tilespmem:$0x1FEA0] =	vst v3;
	v3 =	vld [tilespmem:s24+$0x280]  }
0xb6: {  	v2 =	vsel vm9, v1, v2  }
0xb7: {  	v1 =	vsel vm9, v5, v1;
	vm13 =	vgt.f32 v37, v2  }
0xb8: {  	v39 =	vld [tilespmem:s24+$0x300];
	vm8 =	vgt.f32 v37, v1;
	v2 =	vsel vm13, v37, v2  }
0xb9: {  	v2 =	vsel vm8, v1, v2  }
0xba: {  	v1 =	vsel vm8, v37, v1;
	vm15 =	vgt.f32 v3, v2  }
0xbb: {  	vm7 =	vgt.f32 v3, v1;
	v2 =	vsel vm15, v3, v2  }
0xbc: {  	v41 =	vld [tilespmem:s24+$0x380];
	v2 =	vsel vm7, v1, v2  }
0xbd: {  	v1 =	vsel vm7, v3, v1;
	v3 =	vimm.s32 $0x0;
	vm4 =	vgt.f32 v39, v2  }
0xbe: {  	v3 =	vsel vm4, $0xFFFFFFFF, v3  }
0xbf: {  	vm11 =	vgt.f32 v39, v1;
	v2 =	vsel vm4, v39, v2;
	[tilespmem:$0x1FED0] =	vst v3;
	v3 =	vld [tilespmem:s24+$0x1000]  }
0xc0: {  	v2 =	vsel vm11, v1, v2  }
0xc1: {  	v38 =	vimm.s32 $0x0;
	v1 =	vsel vm11, v39, v1;
	vm5 =	vgt.f32 v41, v2  }
0xc2: {  	v43 =	vld [tilespmem:s24+$0x1080];
	v5 =	vsel vm13, $0xFFFFFFFF, v38;
	vm13 =	vgt.f32 v41, v1;
	v2 =	vsel vm5, v41, v2  }
0xc3: {  	v40 =	vimm.s32 $0x0;
	v44 =	vimm.s32 $0x0;
	v2 =	vsel vm13, v1, v2  }
0xc4: {  	v4 =	vsel vm15, $0xFFFFFFFF, v40;
	v1 =	vsel vm13, v41, v1;
	vm6 =	vgt.f32 v3, v2  }
0xc5: {  	[tilespmem:$0x1FEC0] =	vst v4;
	v4 =	vsel vm6, $0xFFFFFFFF, v44;
	v2 =	vsel vm6, v3, v2;
	vm6 =	vgt.f32 v3, v1  }
0xc6: {  	v45 =	vld [tilespmem:s24+$0x1100];
	v2 =	vsel vm6, v1, v2  }
0xc7: {  	v1 =	vsel vm6, v3, v1;
	v3 =	vimm.s32 $0x0;
	vm15 =	vgt.f32 v43, v2  }
0xc8: {  	v42 =	vimm.s32 $0x0;
	[tilespmem:$0x1FEB0] =	vst v5;
	v3 =	vsel vm15, $0xFFFFFFFF, v3  }
0xc9: {  	v5 =	vsel vm5, $0xFFFFFFFF, v42;
	vm5 =	vgt.f32 v43, v1;
	v2 =	vsel vm15, v43, v2;
	[tilespmem:$0x1FF00] =	vst v3;
	v3 =	vld [tilespmem:s24+$0x1180]  }
0xca: {  	v2 =	vsel vm5, v1, v2  }
0xcb: {  	v46 =	vimm.s32 $0x0;
	v1 =	vsel vm5, v43, v1;
	vm4 =	vgt.f32 v45, v2  }
0xcc: {  	v47 =	vld [tilespmem:s24+$0x1200];
	[tilespmem:$0x1FEE0] =	vst v5;
	v5 =	vsel vm4, $0xFFFFFFFF, v46;
	v2 =	vsel vm4, v45, v2;
	vm4 =	vgt.f32 v45, v1  }
0xcd: {  	v2 =	vsel vm4, v1, v2  }
0xce: {  	v1 =	vsel vm4, v45, v1;
	vm15 =	vgt.f32 v3, v2  }
0xcf: {  	v48 =	vimm.s32 $0x0;
	vm3 =	vgt.f32 v3, v1;
	v2 =	vsel vm15, v3, v2  }
0xd0: {  	v49 =	vld [tilespmem:s24+$0x1280];
	[tilespmem:$0x1FEF0] =	vst v4;
	v4 =	vsel vm15, $0xFFFFFFFF, v48;
	v2 =	vsel vm3, v1, v2  }
0xd1: {  	v1 =	vsel vm3, v3, v1;
	v3 =	vimm.s32 $0x0;
	vm15 =	vgt.f32 v47, v2  }
0xd2: {  	v52 =	vld [tilespmem:$0x1FE80];
	v3 =	vsel vm15, $0xFFFFFFFF, v3  }
0xd3: {  	vm2 =	vgt.f32 v47, v1;
	v2 =	vsel vm15, v47, v2;
	[tilespmem:$0x1FF30] =	vst v3;
	v3 =	vld [tilespmem:s24+$0x1300]  }
0xd4: {  	v2 =	vsel vm2, v1, v2  }
0xd5: {  	v1 =	vsel vm2, v47, v1;
	vm15 =	vgt.f32 v49, v2  }
0xd6: {  	vm1 =	vgt.f32 v49, v1;
	v2 =	vsel vm15, v49, v2  }
0xd7: {  	v50 =	vimm.s32 $0x0;
	vm0 =	vnez.u8 v52;
	v2 =	vsel vm1, v1, v2  }
0xd8: {  	[tilespmem:$0x1FF10] =	vst v5;
	v5 =	vsel vm15, $0xFFFFFFFF, v50;
	v1 =	vsel vm1, v49, v1;
	vm15 =	vgt.f32 v3, v2  }
0xd9: {  	v51 =	vld [tilespmem:s24+$0x1380];
	vm0 =	vmand vm10, vm0;
	vm10 =	vgt.f32 v3, v1;
	v2 =	vsel vm15, v3, v2  }
0xda: {  	v2 =	vsel vm10, v1, v2;
	v1 =	vsel vm10, v3, v1;
	v3 =	vld [tilespmem:$0x1FE90];
	_ =	sdelay $0x1  }
0xdb: {  	v55 =	vld [tilespmem:$0x1FEA0];
	_ =	sdelay $0x1  }
0xdc: {  	v6 =	vsel vm14, $0x1, v0;
	v56 =	vld [tilespmem:$0x1FEB0]  }
0xdd: {  	v53 =	vsel vm0, $0x1, v0;
	vm14 =	vgt.f32 v51, v2;
	vm0 =	vnez.u8 v3  }
0xde: {  	v54 =	vsel vm12, $0x2, v6;
	v57 =	vld [tilespmem:$0x1FEC0];
	v2 =	vsel vm14, v51, v2;
	v3 =	vsel vm0, $0x2, v53  }
0xdf: {  	vm0 =	vgt.f32 v51, v1;
	v3 =	vsel vm12, v6, v3;
	vm12 =	vnez.u8 v55  }
0xe0: {  	v2 =	vsel vm0, v1, v2;
	v1 =	vsel vm0, v51, v1;
	v3 =	vsel vm12, $0x3, v3  }
0xe1: {  	v1 =	vsub.f32 v2, v1;
	vm12 =	vnez.u8 v56;
	v2 =	vsel vm9, v54, v3  }
0xe2: {  	v3 =	vsel vm9, $0x3, v54;
	v2 =	vsel vm12, $0x4, v2  }
0xe3: {  	v1 =	vmul.f32 $1.442695020e+00, v1;
	vm12 =	vnez.u8 v57;
	v2 =	vsel vm8, v3, v2  }
0xe4: {  	v3 =	vsel vm8, $0x4, v3;
	v2 =	vsel vm12, $0x5, v2  }
0xe5: {  	(erf) = vpow2.f32 v1;
	v1 =	vsel vm7, v3, v2;
	v2 =	vld [tilespmem:$0x1FED0];
	_ =	sdelay $0x4  }
0xe6: {  	vm12 =	vnez.u8 v2;
	v2 =	vsel vm7, $0x5, v3;
	v3 =	vld [tilespmem:$0x1FEE0];
	_ =	sdelay $0x3  }
0xe7: {  	v1 =	vsel vm12, $0x6, v1  }
0xe8: {  	v1 =	vsel vm11, v2, v1;
	v2 =	vsel vm11, $0x6, v2;
	vm11 =	vnez.u8 v3;
	v3 =	vld [tilespmem:$0x1FEF0];
	_ =	sdelay $0x4  }
0xe9: {  	vm12 =	vnez.u8 v3;
	v3 =	vld [tilespmem:$0x1FF00];
	_ =	sdelay $0x1  }
0xea: {  	v58 =	vld [tilespmem:$0x1FF10];
	v1 =	vsel vm11, $0x7, v1  }
0xeb: {  	[tilespmem:$0x1FF20] =	vst v4;
	v1 =	vsel vm13, v2, v1  }
0xec: {  	v60 =	vld [tilespmem:$0x1FF20];
	v2 =	vsel vm13, $0x7, v2;
	v1 =	vsel vm12, $0x8, v1  }
0xed: {  	v1 =	vsel vm6, v2, v1;
	vm13 =	vnez.u8 v3  }
0xee: {  	v61 =	vld [tilespmem:$0x1FF30];
	v2 =	vsel vm6, $0x8, v2;
	v1 =	vsel vm13, $0x9, v1  }
0xef: {  	[tilespmem:$0x1FF40] =	vst v5;
	vm9 =	vnez.u8 v58;
	v1 =	vsel vm5, v2, v1  }
0xf0: {  	v62 =	vld [tilespmem:$0x1FF40];
	v3 =	vpop (erf);
	v2 =	vsel vm5, $0x9, v2;
	v1 =	vsel vm9, $0xA, v1  }
0xf1: {  	vm11 =	vnez.u8 v60;
	v59 =	vadd.f32 $1.000000000e+00, v3;
	v1 =	vsel vm4, v2, v1  }
0xf2: {  	v2 =	vsel vm4, $0xA, v2;
	v1 =	vsel vm11, $0xB, v1  }
0xf3: {  	vm12 =	vnez.u8 v61;
	(erf) = vrcp.f32 v59;
	v1 =	vsel vm3, v2, v1  }
0xf4: {  	v2 =	vsel vm3, $0xB, v2;
	v1 =	vsel vm12, $0xC, v1  }
0xf5: {  	vm13 =	vnez.u8 v62;
	v1 =	vsel vm2, v2, v1  }
0xf6: {  	v2 =	vsel vm2, $0xC, v2;
	v1 =	vsel vm13, $0xD, v1  }
0xf7: {  	v1 =	vsel vm1, v2, v1  }
0xf8: {  	v2 =	vsel vm1, $0xD, v2;
	v1 =	vsel vm15, $0xE, v1  }
0xf9: {  	v1 =	vsel vm10, v2, v1;
	v2 =	vsel vm10, $0xE, v2;
	_ =	sdelay $0x1  }
0xfa: {  	s23 =	sadd.s32 $0x10, s23;
	v1 =	vsel vm14, $0xF, v1;
	v63 =	vsel vm0, $0xF, v2  }
0xfb: {  	v1 =	vsel vm0, v2, v1;
	[tilespmem:s23+$0x0] =	vst v63;
	v2 =	vpop (erf)  }
0xfc: {  	[tilespmem:s22+$0x0] =	vst v1;
	v1 =	vmul.f32 v2, v3  }
0xfd: {  	[tilespmem:s20+$0x0] =	vst v2  }
0xfe: {  	[tilespmem:s21+$0x0] =	vst v1  }
0xff: {  	[hbm4b:s4+s12] =	stream.strided.scatter [tilespmem:s14], [sflag:$0x2], $0x200, s13, s12, $0x38;
	[tilespmem:$0x2800] =	vst v63  }
0x100: {  	_ =	swait.ge [sflag:s15], $0x200  }
0x101: {  	[sflag:s15] =	ssyncset.done $0x0  }
0x102: {  	[sflag:s15] =	ssyncadd.s32 $0xFFFFFE00  }
0x103: {  	[hbm4b:s5+s12] =	stream.strided.scatter [tilespmem:s16], [sflag:$0x2], $0x200, s13, s12, $0x38;
	[tilespmem:$0x2800] =	vst v63  }
0x104: {  	_ =	swait.ge [sflag:s15], $0x200  }
0x105: {  	[sflag:s15] =	ssyncset.done $0x0  }
0x106: {  	[sflag:s15] =	ssyncadd.s32 $0xFFFFFE00  }
0x107: {  	[hbm4b:s6+s12] =	stream.strided.scatter [tilespmem:s17], [sflag:$0x2], $0x200, s13, s12, $0x38;
	[tilespmem:$0x2800] =	vst v63  }
0x108: {  	s19 =	sadd.s32 $0x1, s19;
	_ =	swait.ge [sflag:s15], $0x200  }
0x109: {  	p0 =	sne.s32 s19, s8;
	[sflag:s15] =	ssyncset.done $0x0  }
.Ltmp1:
0x10a: {  	[sflag:s15] =	ssyncadd.s32 $0xFFFFFE00;
	(pc) =	sbr.rel @p0 .LBB2_1-.Ltmp1, $4  }
0x10b: {  	[hbm4b:s7+s12] =	stream.strided.scatter [tilespmem:s18], [sflag:$0x2], $0x200, s13, s12, $0x38;
	[tilespmem:$0x2800] =	vst v63  }
0x10c: {  	_ =	swait.ge [sflag:s15], $0x200  }
0x10d: {  	[sflag:s15] =	ssyncset.done $0x0  }
0x10e: {  	[sflag:s15] =	ssyncadd.s32 $0xFFFFFE00  }
0x10f: {  	_ =	sfence.sel $0x180000  }
0x110: {  	[bflag:$0x0] =	sbarrier.arrive $0xFFFF  }
0x111: {  	p0 =	sne.s32 s1, $0x0;
	_ =	strace $0x90000047  }
0x112: {  	s0 =	sadd.s32 @!p0 $0x100000, s0;
	[bflag:$0x2] =	sbarrier.arrive $0xFFFF  }
0x113: {  	[sflag:s0] =	ssyncadd.tile.s32 @!p0 $0x1;
	_ =	shalt  }
.Lfunc_end2:
_tile_overlayer_lowered:
.L_overlay_start_2:
0x114: {  	(tag) =	ssettag $0x2  }
0x115: {  	s0 =	rddreg [dreg:$0x0];
	s2 =	stileid.u32  }
0x116: {  	s1 =	rddreg [dreg:$0x1];
	p0 =	sne.s32 s2, $0x0  }
0x117: {  	s3 =	rddreg [dreg:$0x2];
	[bflag:$0x3] =	sbarrier.arrive $0xFFFF;
	s2 =	simm.s32 @!p0 $0x1C02  }
0x118: {  	[timem:s3], [sflag:s2] =	dma.local @!p0 [hbm:s0], s1  }
0x119: {  	s0 =	simm.s32 @!p0 $0x2  }
0x11a: {  	_ =	swait.ge @!p0 [sflag:s0], s1  }
0x11b: {  	s1 =	ssub.s32 @!p0 $0x0, s1;
	[sflag:s0] =	ssyncset.done @!p0 $0x0  }
0x11c: {  	[sflag:s0] =	ssyncadd.s32 @!p0 s1  }
0x11d: {  	[bflag:$0x3] =	sbarrier.arrive $0xFFFF  }
0x11e: {  	_ =	shalt  }

</sc_bundles>
